<compile_context>
chip_gen: v7x
topology: tpu7x:2x2x1
jax: 0.10.2.dev20260603
libtpu: 0.0.44.dev20260713+nightly
codegen_flags: <defaults>
</compile_context>

<pallas_src>
import jax
import jax.numpy as jnp
from jax import lax
from jax.experimental import pallas as pl
from jax.experimental.pallas import tpu as pltpu
from jax.experimental.pallas import tpu_sc as plsc

BATCH = 16384
FEATURE_ROWS = 1000000
FIELDS = 26
K = 16
NW = 32
ROWS_PER_W = BATCH // NW
CHUNK_ROWS = 4
IDX_PER_CHUNK = CHUNK_ROWS * FIELDS
NCHUNK = ROWS_PER_W // CHUNK_ROWS
NBUF = 8


def _body(x_ref, bias_ref, factor_ref, out_ref,
          xst, ib, r_all, b_all, ob, oc, sf, sb):
    cid = lax.axis_index("c")
    sid = lax.axis_index("s")
    wid = sid * 2 + cid
    iota = lax.iota(jnp.int32, 16)

    pltpu.sync_copy(x_ref.at[pl.ds(wid * ROWS_PER_W, ROWS_PER_W)], xst)

    def issue(jj, b):
        for rr in range(CHUNK_ROWS):
            row = jj * CHUNK_ROWS + rr
            ib[b, pl.ds(rr * FIELDS, 16)] = xst[row, pl.ds(0, 16)]
            ib[b, pl.ds(rr * FIELDS + 10, 16)] = xst[row, pl.ds(10, 16)]
        idx = ib.at[b]
        pltpu.async_copy(factor_ref.at[idx], r_all.at[b], sf.at[b])
        pltpu.async_copy(bias_ref.at[idx], b_all.at[b], sb.at[b])

    def wait(jj, b):
        idx = ib.at[b]
        pltpu.make_async_copy(factor_ref.at[idx], r_all.at[b], sf.at[b]).wait()
        pltpu.make_async_copy(bias_ref.at[idx], b_all.at[b], sb.at[b]).wait()

    def compute(jj, b):
        r = r_all.at[b]
        bb = b_all.at[b]
        for p in range(CHUNK_ROWS):
            base = p * FIELDS
            s = r[base, :]
            q = s * s
            for f in range(1, FIELDS):
                v = r[base + f, :]
                s = s + v
                q = q + v * v
            g0 = plsc.load_gather(bb, [iota + base])
            g1 = plsc.load_gather(bb, [jnp.minimum(iota, 9) + (base + 16)])
            g1 = jnp.where(iota < 10, g1, jnp.float32(0.0))
            tot = s * s - q + g0 + g1
            ob[jj * CHUNK_ROWS + p, :] = plsc.cumsum(tot)

    for b in range(NBUF):
        issue(b, b)

    def loop(i, carry):
        j0 = NBUF * i
        for b in range(NBUF):
            jj = j0 + b
            wait(jj, b)
            compute(jj, b)
            issue(jj + NBUF, b)
        return carry

    lax.fori_loop(0, NCHUNK // NBUF - 1, loop, 0)
    for b in range(NBUF):
        jj = NCHUNK - NBUF + b
        wait(jj, b)
        compute(jj, b)

    lane15 = jnp.full((16,), 15, jnp.int32)
    for t in range(ROWS_PER_W // 16):
        vals = plsc.load_gather(ob, [t * 16 + iota, lane15])
        oc[pl.ds(t * 16, 16)] = vals

    pltpu.sync_copy(oc, out_ref.at[pl.ds(wid * ROWS_PER_W, ROWS_PER_W)])


@jax.jit
def _fm(x, bias1d, factor):
    mesh = plsc.VectorSubcoreMesh(core_axis_name="c", subcore_axis_name="s")
    f = pl.kernel(
        _body,
        out_type=jax.ShapeDtypeStruct((BATCH,), jnp.float32),
        mesh=mesh,
        compiler_params=pltpu.CompilerParams(
            needs_layout_passes=False, use_tc_tiling_on_sc=False),
        scratch_types=[
            pltpu.VMEM((ROWS_PER_W, FIELDS), jnp.int32),
            pltpu.VMEM((NBUF, IDX_PER_CHUNK), jnp.int32),
            pltpu.VMEM((NBUF, IDX_PER_CHUNK, K), jnp.float32),
            pltpu.VMEM((NBUF, IDX_PER_CHUNK), jnp.float32),
            pltpu.VMEM((ROWS_PER_W, K), jnp.float32),
            pltpu.VMEM((ROWS_PER_W,), jnp.float32),
            pltpu.SemaphoreType.DMA((NBUF,)),
            pltpu.SemaphoreType.DMA((NBUF,)),
        ],
    )
    return f(x, bias1d, factor)


TR_CHUNK = 1024
TR_NFULL = FEATURE_ROWS // TR_CHUNK
TR_MAIN = TR_NFULL * TR_CHUNK


def _tr_body(ft_ref, tail_ref, out_ref,
             va0, va1, vb0, vb1, vc0, vc1, ova, ovb, ovc, tv,
             sia, sib, sic, soa, sob, soc):
    cid = lax.axis_index("c")
    sid = lax.axis_index("s")
    wid = sid * 2 + cid
    iota = lax.iota(jnp.int32, 16)
    rowi = jnp.bitwise_and(iota, 7)
    half = jnp.right_shift(iota, 3)
    vbase = half * 16 + rowi
    cu = [2 * u + half for u in range(8)]
    bu = [32 * u + vbase for u in range(8)]

    nck = jnp.where(wid < TR_NFULL - (TR_NFULL // NW) * NW,
                    jnp.int32(TR_NFULL // NW + 1), jnp.int32(TR_NFULL // NW))

    def issue_in(t, vv0, vv1, s):
        c0 = (wid + NW * t) * TR_CHUNK
        pltpu.async_copy(ft_ref.at[0].at[:, pl.ds(c0, TR_CHUNK)], vv0, s)
        pltpu.async_copy(ft_ref.at[1].at[:, pl.ds(c0, TR_CHUNK)], vv1, s)

    def wait_in(t, vv0, vv1, s):
        c0 = (wid + NW * t) * TR_CHUNK
        pltpu.make_async_copy(
            ft_ref.at[0].at[:, pl.ds(c0, TR_CHUNK)], vv0, s).wait()
        pltpu.make_async_copy(
            ft_ref.at[1].at[:, pl.ds(c0, TR_CHUNK)], vv1, s).wait()

    def compute_n(vv0, vv1, w, n):
        def pairs(i, carry):
            p16 = 16 * i
            p256 = 256 * i
            for u in range(8):
                ci = p16 + cu[u]
                g0 = plsc.load_gather(vv0, [rowi, ci])
                g1 = plsc.load_gather(vv1, [rowi, ci])
                base = p256 + bu[u]
                plsc.store_scatter(w, [base], g0)
                plsc.store_scatter(w, [base + 8], g1)
            return carry

        lax.fori_loop(0, n // 16, pairs, 0)

    def issue_out(t, w, s):
        c0 = (wid + NW * t) * TR_CHUNK
        pltpu.async_copy(w, out_ref.at[pl.ds(c0 * K, TR_CHUNK * K)], s)

    def wait_out(t, w, s):
        c0 = (wid + NW * t) * TR_CHUNK
        pltpu.make_async_copy(
            w, out_ref.at[pl.ds(c0 * K, TR_CHUNK * K)], s).wait()

    issue_in(0, va0, va1, sia)
    issue_in(1, vb0, vb1, sib)
    issue_in(2, vc0, vc1, sic)

    slots = [(va0, va1, ova, sia, soa),
             (vb0, vb1, ovb, sib, sob),
             (vc0, vc1, ovc, sic, soc)]

    def loop(i, carry):
        for r in range(3):
            t = 3 * i + r
            v0_, v1_, ov_, si_, so_ = slots[r]

            @pl.when(t < nck)
            def _():
                wait_in(t, v0_, v1_, si_)

                @pl.when(t >= 3)
                def _():
                    wait_out(t - 3, ov_, so_)
                compute_n(v0_, v1_, ov_, TR_CHUNK)
                issue_out(t, ov_, so_)

                @pl.when(t + 3 < nck)
                def _():
                    issue_in(t + 3, v0_, v1_, si_)
        return carry

    lax.fori_loop(0, (TR_NFULL // NW + 3) // 3, loop, 0)

    @pl.when(nck == 30)
    def _():
        wait_out(27, slots[0][2], slots[0][4])
        wait_out(28, slots[1][2], slots[1][4])
        wait_out(29, slots[2][2], slots[2][4])

    @pl.when(nck == 31)
    def _():
        wait_out(28, slots[1][2], slots[1][4])
        wait_out(29, slots[2][2], slots[2][4])
        wait_out(30, slots[0][2], slots[0][4])

    @pl.when(wid == 0)
    def _():
        pltpu.sync_copy(ft_ref.at[0].at[:, pl.ds(TR_MAIN, 512)],
                        va0.at[:, pl.ds(0, 512)])
        pltpu.sync_copy(ft_ref.at[1].at[:, pl.ds(TR_MAIN, 512)],
                        va1.at[:, pl.ds(0, 512)])
        compute_n(va0, va1, ova, 512)
        pltpu.sync_copy(ova.at[pl.ds(0, 512 * K)],
                        out_ref.at[pl.ds(TR_MAIN * K, 512 * K)])

    @pl.when(wid == 1)
    def _():
        pltpu.sync_copy(tail_ref, tv)
        pltpu.sync_copy(tv, out_ref.at[pl.ds((FEATURE_ROWS - 64) * K, 64 * K)])


@jax.jit
def _sctr(ft3, tailf):
    mesh = plsc.VectorSubcoreMesh(core_axis_name="c", subcore_axis_name="s")
    f = pl.kernel(
        _tr_body,
        out_type=jax.ShapeDtypeStruct((FEATURE_ROWS * K,), jnp.float32),
        mesh=mesh,
        compiler_params=pltpu.CompilerParams(needs_layout_passes=False),
        scratch_types=[
            pltpu.VMEM((8, TR_CHUNK), jnp.float32),
            pltpu.VMEM((8, TR_CHUNK), jnp.float32),
            pltpu.VMEM((8, TR_CHUNK), jnp.float32),
            pltpu.VMEM((8, TR_CHUNK), jnp.float32),
            pltpu.VMEM((8, TR_CHUNK), jnp.float32),
            pltpu.VMEM((8, TR_CHUNK), jnp.float32),
            pltpu.VMEM((TR_CHUNK * K,), jnp.float32),
            pltpu.VMEM((TR_CHUNK * K,), jnp.float32),
            pltpu.VMEM((TR_CHUNK * K,), jnp.float32),
            pltpu.VMEM((64 * K,), jnp.float32),
            pltpu.SemaphoreType.DMA,
            pltpu.SemaphoreType.DMA,
            pltpu.SemaphoreType.DMA,
            pltpu.SemaphoreType.DMA,
            pltpu.SemaphoreType.DMA,
            pltpu.SemaphoreType.DMA,
        ],
    )
    return f(ft3, tailf)


def kernel(x, emb_bias_w, emb_factor_w):
    ft3 = jnp.swapaxes(emb_factor_w, 0, 1).reshape(2, 8, FEATURE_ROWS)
    tailf = emb_factor_w[FEATURE_ROWS - 64:, :].reshape(-1)
    fr = _sctr(ft3, tailf).reshape(FEATURE_ROWS, K)
    out = _fm(x.astype(jnp.int32), emb_bias_w.reshape(-1), fr)
    return out.reshape(BATCH, 1)

# --- scband reference (transcript-rebuilt; emitter-appended) ---
"""Pipeline reference for scband-factorization-machine-25580825215405 (READ-ONLY COPY).

The authoritative reference and input builder live on the scoring server;
editing this copy changes nothing except your own understanding.
"""

import jax, jax.numpy as jnp
import numpy as np

FEATURE_NUM = 1000000
LATENT_NUM = 16
BATCH = 16384
FIELDS = 26

def setup_inputs(seed: int = 0) -> dict:
    key = jax.random.key(seed)
    k1, k2, k3 = jax.random.split(key, 3)
    x = jax.random.randint(k1, (BATCH, FIELDS), 0, FEATURE_NUM, dtype=jnp.int64 if jax.config.jax_enable_x64 else jnp.int32)
    emb_bias_w = jax.random.normal(k2, (FEATURE_NUM, 1), dtype=jnp.float32) * 0.02
    emb_factor_w = jax.random.normal(k3, (FEATURE_NUM, LATENT_NUM), dtype=jnp.float32) * 0.02
    return {"x": x, "emb_bias_w": emb_bias_w, "emb_factor_w": emb_factor_w}

def reference(x, emb_bias_w, emb_factor_w):
    # bias = sum over last two dims of emb_bias(x), then view(-1, 1)
    bias_emb = jnp.take(emb_bias_w, x, axis=0)            # [B, F, 1]
    bias = jnp.sum(bias_emb, axis=(-1, -2)).reshape(-1, 1)  # [B, 1]
    # factor = emb_factor(x)
    factor = jnp.take(emb_factor_w, x, axis=0)            # [B, F, K]
    diff = jnp.sum(factor, axis=1, keepdims=True) - factor  # [B, F, K]
    dot = jnp.sum(factor * diff, axis=-1)                  # [B, F]
    out = bias + jnp.sum(dot, axis=-1, keepdims=True)      # [B, 1]
    return out

if __name__ == "__main__":
    import jax
    _d = setup_inputs()
    print(jax.jit(kernel)(*tuple(_d.values())))

</pallas_src>

<mosaic_0001>
#map = affine_map<(d0, d1) -> (0, 0, 0)>
#map1 = affine_map<(d0, d1) -> (0)>
module attributes {stable_mosaic.version = 14 : i64} {
  func.func @_tr_body(%arg0: i32, %arg1: i32, %arg2: memref<2x8x1000000xf32, #tpu.memory_space<hbm>>, %arg3: memref<1024xf32, #tpu.memory_space<hbm>>, %arg4: memref<16000000xf32, #tpu.memory_space<hbm>>, %arg5: memref<8x1024xf32, #tpu.memory_space<vmem>>, %arg6: memref<8x1024xf32, #tpu.memory_space<vmem>>, %arg7: memref<8x1024xf32, #tpu.memory_space<vmem>>, %arg8: memref<8x1024xf32, #tpu.memory_space<vmem>>, %arg9: memref<8x1024xf32, #tpu.memory_space<vmem>>, %arg10: memref<8x1024xf32, #tpu.memory_space<vmem>>, %arg11: memref<16384xf32, #tpu.memory_space<vmem>>, %arg12: memref<16384xf32, #tpu.memory_space<vmem>>, %arg13: memref<16384xf32, #tpu.memory_space<vmem>>, %arg14: memref<1024xf32, #tpu.memory_space<vmem>>, %arg15: memref<!tpu.dma_semaphore, #tpu.memory_space<semaphore_mem>>, %arg16: memref<!tpu.dma_semaphore, #tpu.memory_space<semaphore_mem>>, %arg17: memref<!tpu.dma_semaphore, #tpu.memory_space<semaphore_mem>>, %arg18: memref<!tpu.dma_semaphore, #tpu.memory_space<semaphore_mem>>, %arg19: memref<!tpu.dma_semaphore, #tpu.memory_space<semaphore_mem>>, %arg20: memref<!tpu.dma_semaphore, #tpu.memory_space<semaphore_mem>>) attributes {dimension_semantics = [#tpu.dimension_semantics<core_parallel>, #tpu.dimension_semantics<subcore_parallel>], iteration_bounds = array<i64: 2, 16>, scalar_prefetch = 0 : i64, scratch_operands = 16 : i64, tpu.core_type = #tpu.core_type<sc_vector_subcore>, window_params = [{transform_indices = #map}, {transform_indices = #map1}, {transform_indices = #map1}]} {
    %mul3A = arith.constant 2 : i32
    %mul3A_0 = arith.muli %arg1, %mul3A : i32
    %add3A = arith.addi %mul3A_0, %arg0 : i32
    %iota3A = tpu.iota {dimensions = array<i32: 0>} : vector<16xi32>
    %and3A = arith.constant 7 : i32
    %and3A_1 = vector.broadcast %and3A : i32 to vector<16xi32>
    %and3A_2 = arith.andi %iota3A, %and3A_1 : vector<16xi32>
    %shift_right_arithmetic3A = arith.constant 3 : i32
    %shift_right_arithmetic3A_3 = vector.broadcast %shift_right_arithmetic3A : i32 to vector<16xi32>
    %shift_right_arithmetic3A_4 = arith.shrsi %iota3A, %shift_right_arithmetic3A_3 : vector<16xi32>
    %mul3A_5 = arith.constant 16 : i32
    %mul3A_6 = vector.broadcast %mul3A_5 : i32 to vector<16xi32>
    %mul3A_7 = arith.muli %shift_right_arithmetic3A_4, %mul3A_6 : vector<16xi32>
    %add3A_8 = arith.addi %mul3A_7, %and3A_2 : vector<16xi32>
    %add3A_9 = arith.constant 0 : i32
    %add3A_10 = vector.broadcast %add3A_9 : i32 to vector<16xi32>
    %add3A_11 = arith.addi %add3A_10, %shift_right_arithmetic3A_4 : vector<16xi32>
    %add3A_12 = arith.constant 2 : i32
    %add3A_13 = vector.broadcast %add3A_12 : i32 to vector<16xi32>
    %add3A_14 = arith.addi %add3A_13, %shift_right_arithmetic3A_4 : vector<16xi32>
    %add3A_15 = arith.constant 4 : i32
    %add3A_16 = vector.broadcast %add3A_15 : i32 to vector<16xi32>
    %add3A_17 = arith.addi %add3A_16, %shift_right_arithmetic3A_4 : vector<16xi32>
    %add3A_18 = arith.constant 6 : i32
    %add3A_19 = vector.broadcast %add3A_18 : i32 to vector<16xi32>
    %add3A_20 = arith.addi %add3A_19, %shift_right_arithmetic3A_4 : vector<16xi32>
    %add3A_21 = arith.constant 8 : i32
    %add3A_22 = vector.broadcast %add3A_21 : i32 to vector<16xi32>
    %add3A_23 = arith.addi %add3A_22, %shift_right_arithmetic3A_4 : vector<16xi32>
    %add3A_24 = arith.constant 10 : i32
    %add3A_25 = vector.broadcast %add3A_24 : i32 to vector<16xi32>
    %add3A_26 = arith.addi %add3A_25, %shift_right_arithmetic3A_4 : vector<16xi32>
    %add3A_27 = arith.constant 12 : i32
    %add3A_28 = vector.broadcast %add3A_27 : i32 to vector<16xi32>
    %add3A_29 = arith.addi %add3A_28, %shift_right_arithmetic3A_4 : vector<16xi32>
    %add3A_30 = arith.constant 14 : i32
    %add3A_31 = vector.broadcast %add3A_30 : i32 to vector<16xi32>
    %add3A_32 = arith.addi %add3A_31, %shift_right_arithmetic3A_4 : vector<16xi32>
    %add3A_33 = arith.constant 0 : i32
    %add3A_34 = vector.broadcast %add3A_33 : i32 to vector<16xi32>
    %add3A_35 = arith.addi %add3A_34, %add3A_8 : vector<16xi32>
    %add3A_36 = arith.constant 32 : i32
    %add3A_37 = vector.broadcast %add3A_36 : i32 to vector<16xi32>
    %add3A_38 = arith.addi %add3A_37, %add3A_8 : vector<16xi32>
    %add3A_39 = arith.constant 64 : i32
    %add3A_40 = vector.broadcast %add3A_39 : i32 to vector<16xi32>
    %add3A_41 = arith.addi %add3A_40, %add3A_8 : vector<16xi32>
    %add3A_42 = arith.constant 96 : i32
    %add3A_43 = vector.broadcast %add3A_42 : i32 to vector<16xi32>
    %add3A_44 = arith.addi %add3A_43, %add3A_8 : vector<16xi32>
    %add3A_45 = arith.constant 128 : i32
    %add3A_46 = vector.broadcast %add3A_45 : i32 to vector<16xi32>
    %add3A_47 = arith.addi %add3A_46, %add3A_8 : vector<16xi32>
    %add3A_48 = arith.constant 160 : i32
    %add3A_49 = vector.broadcast %add3A_48 : i32 to vector<16xi32>
    %add3A_50 = arith.addi %add3A_49, %add3A_8 : vector<16xi32>
    %add3A_51 = arith.constant 192 : i32
    %add3A_52 = vector.broadcast %add3A_51 : i32 to vector<16xi32>
    %add3A_53 = arith.addi %add3A_52, %add3A_8 : vector<16xi32>
    %add3A_54 = arith.constant 224 : i32
    %add3A_55 = vector.broadcast %add3A_54 : i32 to vector<16xi32>
    %add3A_56 = arith.addi %add3A_55, %add3A_8 : vector<16xi32>
    %lt3A = arith.constant 16 : i32
    %lt3A_57 = arith.cmpi slt, %add3A, %lt3A : i32
    %jit3A = arith.constant 31 : i32
    %jit3A_58 = arith.constant 30 : i32
    %select_n3A = arith.select %lt3A_57, %jit3A, %jit3A_58 : i32
    %add3A_59 = arith.constant 0 : i32
    %add3A_60 = arith.addi %add3A, %add3A_59 : i32
    %mul3A_61 = arith.constant 1024 : i32
    %mul3A_62 = arith.muli %add3A_60, %mul3A_61 : i32
    %dma_start3A = arith.constant 0 : i32
    %dma_start3A_63 = arith.constant 0 : i32
    %dma_start3A_64 = arith.constant 0 : i32
    %dma_start3A_65 = tpu.memref_slice %arg2[%dma_start3A, %dma_start3A_63, %dma_start3A_64] : memref<2x8x1000000xf32, #tpu.memory_space<hbm>> -> memref<1x8x1000000xf32, #tpu.memory_space<hbm>>
    %dma_start3A_66 = tpu.memref_squeeze %dma_start3A_65 : memref<1x8x1000000xf32, #tpu.memory_space<hbm>> -> memref<8x1000000xf32, #tpu.memory_space<hbm>>
    %dma_start3A_67 = arith.constant 0 : i32
    %dma_start3A_68 = tpu.memref_slice %dma_start3A_66[%dma_start3A_67, %mul3A_62] : memref<8x1000000xf32, #tpu.memory_space<hbm>> -> memref<8x1024xf32, #tpu.memory_space<hbm>>
    %dma_start3A_69 = arith.constant 0 : i32
    %dma_start3A_70 = arith.constant 0 : i32
    %dma_start3A_71 = tpu.memref_slice %arg2[%dma_start3A, %dma_start3A_69, %dma_start3A_70] : memref<2x8x1000000xf32, #tpu.memory_space<hbm>> -> memref<1x8x1000000xf32, #tpu.memory_space<hbm>>
    %dma_start3A_72 = tpu.memref_squeeze %dma_start3A_71 : memref<1x8x1000000xf32, #tpu.memory_space<hbm>> -> memref<8x1000000xf32, #tpu.memory_space<hbm>>
    %dma_start3A_73 = arith.constant 0 : i32
    %dma_start3A_74 = tpu.memref_slice %dma_start3A_72[%dma_start3A_73, %mul3A_62] : memref<8x1000000xf32, #tpu.memory_space<hbm>> -> memref<8x1024xf32, #tpu.memory_space<hbm>>
    tpu.enqueue_dma source(%dma_start3A_74 : memref<8x1024xf32, #tpu.memory_space<hbm>>) target(%arg5 : memref<8x1024xf32, #tpu.memory_space<vmem>>) target_semaphore(%arg15 : memref<!tpu.dma_semaphore, #tpu.memory_space<semaphore_mem>>)
    %dma_start3A_75 = arith.constant 1 : i32
    %dma_start3A_76 = arith.constant 0 : i32
    %dma_start3A_77 = arith.constant 0 : i32
    %dma_start3A_78 = tpu.memref_slice %arg2[%dma_start3A_75, %dma_start3A_76, %dma_start3A_77] : memref<2x8x1000000xf32, #tpu.memory_space<hbm>> -> memref<1x8x1000000xf32, #tpu.memory_space<hbm>>
    %dma_start3A_79 = tpu.memref_squeeze %dma_start3A_78 : memref<1x8x1000000xf32, #tpu.memory_space<hbm>> -> memref<8x1000000xf32, #tpu.memory_space<hbm>>
    %dma_start3A_80 = arith.constant 0 : i32
    %dma_start3A_81 = tpu.memref_slice %dma_start3A_79[%dma_start3A_80, %mul3A_62] : memref<8x1000000xf32, #tpu.memory_space<hbm>> -> memref<8x1024xf32, #tpu.memory_space<hbm>>
    %dma_start3A_82 = arith.constant 0 : i32
    %dma_start3A_83 = arith.constant 0 : i32
    %dma_start3A_84 = tpu.memref_slice %arg2[%dma_start3A_75, %dma_start3A_82, %dma_start3A_83] : memref<2x8x1000000xf32, #tpu.memory_space<hbm>> -> memref<1x8x1000000xf32, #tpu.memory_space<hbm>>
    %dma_start3A_85 = tpu.memref_squeeze %dma_start3A_84 : memref<1x8x1000000xf32, #tpu.memory_space<hbm>> -> memref<8x1000000xf32, #tpu.memory_space<hbm>>
    %dma_start3A_86 = arith.constant 0 : i32
    %dma_start3A_87 = tpu.memref_slice %dma_start3A_85[%dma_start3A_86, %mul3A_62] : memref<8x1000000xf32, #tpu.memory_space<hbm>> -> memref<8x1024xf32, #tpu.memory_space<hbm>>
    tpu.enqueue_dma source(%dma_start3A_87 : memref<8x1024xf32, #tpu.memory_space<hbm>>) target(%arg6 : memref<8x1024xf32, #tpu.memory_space<vmem>>) target_semaphore(%arg15 : memref<!tpu.dma_semaphore, #tpu.memory_space<semaphore_mem>>)
    %add3A_88 = arith.constant 32 : i32
    %add3A_89 = arith.addi %add3A, %add3A_88 : i32
    %mul3A_90 = arith.constant 1024 : i32
    %mul3A_91 = arith.muli %add3A_89, %mul3A_90 : i32
    %dma_start3A_92 = arith.constant 0 : i32
    %dma_start3A_93 = arith.constant 0 : i32
    %dma_start3A_94 = arith.constant 0 : i32
    %dma_start3A_95 = tpu.memref_slice %arg2[%dma_start3A_92, %dma_start3A_93, %dma_start3A_94] : memref<2x8x1000000xf32, #tpu.memory_space<hbm>> -> memref<1x8x1000000xf32, #tpu.memory_space<hbm>>
    %dma_start3A_96 = tpu.memref_squeeze %dma_start3A_95 : memref<1x8x1000000xf32, #tpu.memory_space<hbm>> -> memref<8x1000000xf32, #tpu.memory_space<hbm>>
    %dma_start3A_97 = arith.constant 0 : i32
    %dma_start3A_98 = tpu.memref_slice %dma_start3A_96[%dma_start3A_97, %mul3A_91] : memref<8x1000000xf32, #tpu.memory_space<hbm>> -> memref<8x1024xf32, #tpu.memory_space<hbm>>
    %dma_start3A_99 = arith.constant 0 : i32
    %dma_start3A_100 = arith.constant 0 : i32
    %dma_start3A_101 = tpu.memref_slice %arg2[%dma_start3A_92, %dma_start3A_99, %dma_start3A_100] : memref<2x8x1000000xf32, #tpu.memory_space<hbm>> -> memref<1x8x1000000xf32, #tpu.memory_space<hbm>>
    %dma_start3A_102 = tpu.memref_squeeze %dma_start3A_101 : memref<1x8x1000000xf32, #tpu.memory_space<hbm>> -> memref<8x1000000xf32, #tpu.memory_space<hbm>>
    %dma_start3A_103 = arith.constant 0 : i32
    %dma_start3A_104 = tpu.memref_slice %dma_start3A_102[%dma_start3A_103, %mul3A_91] : memref<8x1000000xf32, #tpu.memory_space<hbm>> -> memref<8x1024xf32, #tpu.memory_space<hbm>>
    tpu.enqueue_dma source(%dma_start3A_104 : memref<8x1024xf32, #tpu.memory_space<hbm>>) target(%arg7 : memref<8x1024xf32, #tpu.memory_space<vmem>>) target_semaphore(%arg16 : memref<!tpu.dma_semaphore, #tpu.memory_space<semaphore_mem>>)
    %dma_start3A_105 = arith.constant 1 : i32
    %dma_start3A_106 = arith.constant 0 : i32
    %dma_start3A_107 = arith.constant 0 : i32
    %dma_start3A_108 = tpu.memref_slice %arg2[%dma_start3A_105, %dma_start3A_106, %dma_start3A_107] : memref<2x8x1000000xf32, #tpu.memory_space<hbm>> -> memref<1x8x1000000xf32, #tpu.memory_space<hbm>>
    %dma_start3A_109 = tpu.memref_squeeze %dma_start3A_108 : memref<1x8x1000000xf32, #tpu.memory_space<hbm>> -> memref<8x1000000xf32, #tpu.memory_space<hbm>>
    %dma_start3A_110 = arith.constant 0 : i32
    %dma_start3A_111 = tpu.memref_slice %dma_start3A_109[%dma_start3A_110, %mul3A_91] : memref<8x1000000xf32, #tpu.memory_space<hbm>> -> memref<8x1024xf32, #tpu.memory_space<hbm>>
    %dma_start3A_112 = arith.constant 0 : i32
    %dma_start3A_113 = arith.constant 0 : i32
    %dma_start3A_114 = tpu.memref_slice %arg2[%dma_start3A_105, %dma_start3A_112, %dma_start3A_113] : memref<2x8x1000000xf32, #tpu.memory_space<hbm>> -> memref<1x8x1000000xf32, #tpu.memory_space<hbm>>
    %dma_start3A_115 = tpu.memref_squeeze %dma_start3A_114 : memref<1x8x1000000xf32, #tpu.memory_space<hbm>> -> memref<8x1000000xf32, #tpu.memory_space<hbm>>
    %dma_start3A_116 = arith.constant 0 : i32
    %dma_start3A_117 = tpu.memref_slice %dma_start3A_115[%dma_start3A_116, %mul3A_91] : memref<8x1000000xf32, #tpu.memory_space<hbm>> -> memref<8x1024xf32, #tpu.memory_space<hbm>>
    tpu.enqueue_dma source(%dma_start3A_117 : memref<8x1024xf32, #tpu.memory_space<hbm>>) target(%arg8 : memref<8x1024xf32, #tpu.memory_space<vmem>>) target_semaphore(%arg16 : memref<!tpu.dma_semaphore, #tpu.memory_space<semaphore_mem>>)
    %add3A_118 = arith.constant 64 : i32
    %add3A_119 = arith.addi %add3A, %add3A_118 : i32
    %mul3A_120 = arith.constant 1024 : i32
    %mul3A_121 = arith.muli %add3A_119, %mul3A_120 : i32
    %dma_start3A_122 = arith.constant 0 : i32
    %dma_start3A_123 = arith.constant 0 : i32
    %dma_start3A_124 = arith.constant 0 : i32
    %dma_start3A_125 = tpu.memref_slice %arg2[%dma_start3A_122, %dma_start3A_123, %dma_start3A_124] : memref<2x8x1000000xf32, #tpu.memory_space<hbm>> -> memref<1x8x1000000xf32, #tpu.memory_space<hbm>>
    %dma_start3A_126 = tpu.memref_squeeze %dma_start3A_125 : memref<1x8x1000000xf32, #tpu.memory_space<hbm>> -> memref<8x1000000xf32, #tpu.memory_space<hbm>>
    %dma_start3A_127 = arith.constant 0 : i32
    %dma_start3A_128 = tpu.memref_slice %dma_start3A_126[%dma_start3A_127, %mul3A_121] : memref<8x1000000xf32, #tpu.memory_space<hbm>> -> memref<8x1024xf32, #tpu.memory_space<hbm>>
    %dma_start3A_129 = arith.constant 0 : i32
    %dma_start3A_130 = arith.constant 0 : i32
    %dma_start3A_131 = tpu.memref_slice %arg2[%dma_start3A_122, %dma_start3A_129, %dma_start3A_130] : memref<2x8x1000000xf32, #tpu.memory_space<hbm>> -> memref<1x8x1000000xf32, #tpu.memory_space<hbm>>
    %dma_start3A_132 = tpu.memref_squeeze %dma_start3A_131 : memref<1x8x1000000xf32, #tpu.memory_space<hbm>> -> memref<8x1000000xf32, #tpu.memory_space<hbm>>
    %dma_start3A_133 = arith.constant 0 : i32
    %dma_start3A_134 = tpu.memref_slice %dma_start3A_132[%dma_start3A_133, %mul3A_121] : memref<8x1000000xf32, #tpu.memory_space<hbm>> -> memref<8x1024xf32, #tpu.memory_space<hbm>>
    tpu.enqueue_dma source(%dma_start3A_134 : memref<8x1024xf32, #tpu.memory_space<hbm>>) target(%arg9 : memref<8x1024xf32, #tpu.memory_space<vmem>>) target_semaphore(%arg17 : memref<!tpu.dma_semaphore, #tpu.memory_space<semaphore_mem>>)
    %dma_start3A_135 = arith.constant 1 : i32
    %dma_start3A_136 = arith.constant 0 : i32
    %dma_start3A_137 = arith.constant 0 : i32
    %dma_start3A_138 = tpu.memref_slice %arg2[%dma_start3A_135, %dma_start3A_136, %dma_start3A_137] : memref<2x8x1000000xf32, #tpu.memory_space<hbm>> -> memref<1x8x1000000xf32, #tpu.memory_space<hbm>>
    %dma_start3A_139 = tpu.memref_squeeze %dma_start3A_138 : memref<1x8x1000000xf32, #tpu.memory_space<hbm>> -> memref<8x1000000xf32, #tpu.memory_space<hbm>>
    %dma_start3A_140 = arith.constant 0 : i32
    %dma_start3A_141 = tpu.memref_slice %dma_start3A_139[%dma_start3A_140, %mul3A_121] : memref<8x1000000xf32, #tpu.memory_space<hbm>> -> memref<8x1024xf32, #tpu.memory_space<hbm>>
    %dma_start3A_142 = arith.constant 0 : i32
    %dma_start3A_143 = arith.constant 0 : i32
    %dma_start3A_144 = tpu.memref_slice %arg2[%dma_start3A_135, %dma_start3A_142, %dma_start3A_143] : memref<2x8x1000000xf32, #tpu.memory_space<hbm>> -> memref<1x8x1000000xf32, #tpu.memory_space<hbm>>
    %dma_start3A_145 = tpu.memref_squeeze %dma_start3A_144 : memref<1x8x1000000xf32, #tpu.memory_space<hbm>> -> memref<8x1000000xf32, #tpu.memory_space<hbm>>
    %dma_start3A_146 = arith.constant 0 : i32
    %dma_start3A_147 = tpu.memref_slice %dma_start3A_145[%dma_start3A_146, %mul3A_121] : memref<8x1000000xf32, #tpu.memory_space<hbm>> -> memref<8x1024xf32, #tpu.memory_space<hbm>>
    tpu.enqueue_dma source(%dma_start3A_147 : memref<8x1024xf32, #tpu.memory_space<hbm>>) target(%arg10 : memref<8x1024xf32, #tpu.memory_space<vmem>>) target_semaphore(%arg17 : memref<!tpu.dma_semaphore, #tpu.memory_space<semaphore_mem>>)
    %scan3A = arith.constant 0 : i32
    %scan3A_148 = arith.constant 0 : i32
    %scan3A_149 = arith.constant 11 : i32
    %scan3A_150 = arith.addi %scan3A_148, %scan3A_149 : i32
    %scan3A_151 = arith.constant 1 : i32
    scf.for %scan3A_170 = %scan3A_148 to %scan3A_150 step %scan3A_151  : i32 {
      %mul3A_171 = arith.constant 3 : i32
      %mul3A_172 = arith.muli %mul3A_171, %scan3A_170 : i32
      %add3A_173 = arith.constant 0 : i32
      %add3A_174 = arith.addi %mul3A_172, %add3A_173 : i32
      %lt3A_175 = arith.cmpi slt, %add3A_174, %select_n3A : i32
      %convert_element_type3A_176 = arith.extui %lt3A_175 : i1 to i32
      %cond3A_177 = arith.constant 0 : i32
      %cond3A_178 = arith.cmpi ne, %convert_element_type3A_176, %cond3A_177 : i32
      scf.if %cond3A_178 {
        %mul3A_195 = arith.constant 32 : i32
        %mul3A_196 = arith.muli %mul3A_195, %add3A_174 : i32
        %add3A_197 = arith.addi %add3A, %mul3A_196 : i32
        %mul3A_198 = arith.constant 1024 : i32
        %mul3A_199 = arith.muli %add3A_197, %mul3A_198 : i32
        %dma_wait3A = arith.constant 0 : i32
        %dma_wait3A_200 = arith.constant 0 : i32
        %dma_wait3A_201 = arith.constant 0 : i32
        %dma_wait3A_202 = tpu.memref_slice %arg2[%dma_wait3A, %dma_wait3A_200, %dma_wait3A_201] : memref<2x8x1000000xf32, #tpu.memory_space<hbm>> -> memref<1x8x1000000xf32, #tpu.memory_space<hbm>>
        %dma_wait3A_203 = tpu.memref_squeeze %dma_wait3A_202 : memref<1x8x1000000xf32, #tpu.memory_space<hbm>> -> memref<8x1000000xf32, #tpu.memory_space<hbm>>
        %dma_wait3A_204 = arith.constant 0 : i32
        %dma_wait3A_205 = tpu.memref_slice %dma_wait3A_203[%dma_wait3A_204, %mul3A_199] : memref<8x1000000xf32, #tpu.memory_space<hbm>> -> memref<8x1024xf32, #tpu.memory_space<hbm>>
        %dma_wait3A_206 = arith.constant 0 : i32
        %dma_wait3A_207 = arith.constant 0 : i32
        %dma_wait3A_208 = tpu.memref_slice %arg2[%dma_wait3A, %dma_wait3A_206, %dma_wait3A_207] : memref<2x8x1000000xf32, #tpu.memory_space<hbm>> -> memref<1x8x1000000xf32, #tpu.memory_space<hbm>>
        %dma_wait3A_209 = tpu.memref_squeeze %dma_wait3A_208 : memref<1x8x1000000xf32, #tpu.memory_space<hbm>> -> memref<8x1000000xf32, #tpu.memory_space<hbm>>
        %dma_wait3A_210 = arith.constant 0 : i32
        %dma_wait3A_211 = tpu.memref_slice %dma_wait3A_209[%dma_wait3A_210, %mul3A_199] : memref<8x1000000xf32, #tpu.memory_space<hbm>> -> memref<8x1024xf32, #tpu.memory_space<hbm>>
        tpu.wait_dma2 semaphore(%arg15 : memref<!tpu.dma_semaphore, #tpu.memory_space<semaphore_mem>>) src(%dma_wait3A_211 : memref<8x1024xf32, #tpu.memory_space<hbm>>) dst(%arg5 : memref<8x1024xf32, #tpu.memory_space<vmem>>)
        %dma_wait3A_212 = arith.constant 1 : i32
        %dma_wait3A_213 = arith.constant 0 : i32
        %dma_wait3A_214 = arith.constant 0 : i32
        %dma_wait3A_215 = tpu.memref_slice %arg2[%dma_wait3A_212, %dma_wait3A_213, %dma_wait3A_214] : memref<2x8x1000000xf32, #tpu.memory_space<hbm>> -> memref<1x8x1000000xf32, #tpu.memory_space<hbm>>
        %dma_wait3A_216 = tpu.memref_squeeze %dma_wait3A_215 : memref<1x8x1000000xf32, #tpu.memory_space<hbm>> -> memref<8x1000000xf32, #tpu.memory_space<hbm>>
        %dma_wait3A_217 = arith.constant 0 : i32
        %dma_wait3A_218 = tpu.memref_slice %dma_wait3A_216[%dma_wait3A_217, %mul3A_199] : memref<8x1000000xf32, #tpu.memory_space<hbm>> -> memref<8x1024xf32, #tpu.memory_space<hbm>>
        %dma_wait3A_219 = arith.constant 0 : i32
        %dma_wait3A_220 = arith.constant 0 : i32
        %dma_wait3A_221 = tpu.memref_slice %arg2[%dma_wait3A_212, %dma_wait3A_219, %dma_wait3A_220] : memref<2x8x1000000xf32, #tpu.memory_space<hbm>> -> memref<1x8x1000000xf32, #tpu.memory_space<hbm>>
        %dma_wait3A_222 = tpu.memref_squeeze %dma_wait3A_221 : memref<1x8x1000000xf32, #tpu.memory_space<hbm>> -> memref<8x1000000xf32, #tpu.memory_space<hbm>>
        %dma_wait3A_223 = arith.constant 0 : i32
        %dma_wait3A_224 = tpu.memref_slice %dma_wait3A_222[%dma_wait3A_223, %mul3A_199] : memref<8x1000000xf32, #tpu.memory_space<hbm>> -> memref<8x1024xf32, #tpu.memory_space<hbm>>
        tpu.wait_dma2 semaphore(%arg15 : memref<!tpu.dma_semaphore, #tpu.memory_space<semaphore_mem>>) src(%dma_wait3A_224 : memref<8x1024xf32, #tpu.memory_space<hbm>>) dst(%arg6 : memref<8x1024xf32, #tpu.memory_space<vmem>>)
        %ge3A = arith.constant 3 : i32
        %ge3A_225 = arith.cmpi sge, %add3A_174, %ge3A : i32
        %convert_element_type3A_226 = arith.extui %ge3A_225 : i1 to i32
        %cond3A_227 = arith.constant 0 : i32
        %cond3A_228 = arith.cmpi ne, %convert_element_type3A_226, %cond3A_227 : i32
        scf.if %cond3A_228 {
          %sub3A = arith.constant 3 : i32
          %sub3A_250 = arith.subi %add3A_174, %sub3A : i32
          %mul3A_251 = arith.constant 32 : i32
          %mul3A_252 = arith.muli %mul3A_251, %sub3A_250 : i32
          %add3A_253 = arith.addi %add3A, %mul3A_252 : i32
          %mul3A_254 = arith.constant 1024 : i32
          %mul3A_255 = arith.muli %add3A_253, %mul3A_254 : i32
          %mul3A_256 = arith.constant 16 : i32
          %mul3A_257 = arith.muli %mul3A_255, %mul3A_256 : i32
          %dma_wait3A_258 = tpu.memref_slice %arg4[%mul3A_257] : memref<16000000xf32, #tpu.memory_space<hbm>> -> memref<16384xf32, #tpu.memory_space<hbm>>
          %dma_wait3A_259 = tpu.memref_slice %arg4[%mul3A_257] : memref<16000000xf32, #tpu.memory_space<hbm>> -> memref<16384xf32, #tpu.memory_space<hbm>>
          tpu.wait_dma2 semaphore(%arg18 : memref<!tpu.dma_semaphore, #tpu.memory_space<semaphore_mem>>) src(%arg11 : memref<16384xf32, #tpu.memory_space<vmem>>) dst(%dma_wait3A_259 : memref<16384xf32, #tpu.memory_space<hbm>>)
        } else {
        }
        %scan3A_229 = arith.constant 0 : i32
        %scan3A_230 = arith.constant 0 : i32
        %scan3A_231 = arith.constant 64 : i32
        %scan3A_232 = arith.addi %scan3A_230, %scan3A_231 : i32
        %scan3A_233 = arith.constant 1 : i32
        scf.for %scan3A_250 = %scan3A_230 to %scan3A_232 step %scan3A_233  : i32 {
          %mul3A_251 = arith.constant 16 : i32
          %mul3A_252 = arith.muli %mul3A_251, %scan3A_250 : i32
          %mul3A_253 = arith.constant 256 : i32
          %mul3A_254 = arith.muli %mul3A_253, %scan3A_250 : i32
          %add3A_255 = vector.broadcast %mul3A_252 : i32 to vector<16xi32>
          %add3A_256 = arith.addi %add3A_255, %add3A_11 : vector<16xi32>
          %gather3A = tpu.vector_load_idx %arg5[%and3A_2, %add3A_256] : memref<8x1024xf32, #tpu.memory_space<vmem>>[vector<16xi32>, vector<16xi32>], vector<16xf32>,
          %gather3A_257 = tpu.vector_load_idx %arg6[%and3A_2, %add3A_256] : memref<8x1024xf32, #tpu.memory_space<vmem>>[vector<16xi32>, vector<16xi32>], vector<16xf32>,
          %add3A_258 = vector.broadcast %mul3A_254 : i32 to vector<16xi32>
          %add3A_259 = arith.addi %add3A_258, %add3A_35 : vector<16xi32>
          tpu.vector_store_idx %arg11[%add3A_259], %gather3A : memref<16384xf32, #tpu.memory_space<vmem>>[vector<16xi32>], vector<16xf32>,
          %add3A_260 = arith.constant 8 : i32
          %add3A_261 = vector.broadcast %add3A_260 : i32 to vector<16xi32>
          %add3A_262 = arith.addi %add3A_259, %add3A_261 : vector<16xi32>
          tpu.vector_store_idx %arg11[%add3A_262], %gather3A_257 : memref<16384xf32, #tpu.memory_space<vmem>>[vector<16xi32>], vector<16xf32>,
          %add3A_263 = vector.broadcast %mul3A_252 : i32 to vector<16xi32>
          %add3A_264 = arith.addi %add3A_263, %add3A_14 : vector<16xi32>
          %gather3A_265 = tpu.vector_load_idx %arg5[%and3A_2, %add3A_264] : memref<8x1024xf32, #tpu.memory_space<vmem>>[vector<16xi32>, vector<16xi32>], vector<16xf32>,
          %gather3A_266 = tpu.vector_load_idx %arg6[%and3A_2, %add3A_264] : memref<8x1024xf32, #tpu.memory_space<vmem>>[vector<16xi32>, vector<16xi32>], vector<16xf32>,
          %add3A_267 = vector.broadcast %mul3A_254 : i32 to vector<16xi32>
          %add3A_268 = arith.addi %add3A_267, %add3A_38 : vector<16xi32>
          tpu.vector_store_idx %arg11[%add3A_268], %gather3A_265 : memref<16384xf32, #tpu.memory_space<vmem>>[vector<16xi32>], vector<16xf32>,
          %add3A_269 = arith.constant 8 : i32
          %add3A_270 = vector.broadcast %add3A_269 : i32 to vector<16xi32>
          %add3A_271 = arith.addi %add3A_268, %add3A_270 : vector<16xi32>
          tpu.vector_store_idx %arg11[%add3A_271], %gather3A_266 : memref<16384xf32, #tpu.memory_space<vmem>>[vector<16xi32>], vector<16xf32>,
          %add3A_272 = vector.broadcast %mul3A_252 : i32 to vector<16xi32>
          %add3A_273 = arith.addi %add3A_272, %add3A_17 : vector<16xi32>
          %gather3A_274 = tpu.vector_load_idx %arg5[%and3A_2, %add3A_273] : memref<8x1024xf32, #tpu.memory_space<vmem>>[vector<16xi32>, vector<16xi32>], vector<16xf32>,
          %gather3A_275 = tpu.vector_load_idx %arg6[%and3A_2, %add3A_273] : memref<8x1024xf32, #tpu.memory_space<vmem>>[vector<16xi32>, vector<16xi32>], vector<16xf32>,
          %add3A_276 = vector.broadcast %mul3A_254 : i32 to vector<16xi32>
          %add3A_277 = arith.addi %add3A_276, %add3A_41 : vector<16xi32>
          tpu.vector_store_idx %arg11[%add3A_277], %gather3A_274 : memref<16384xf32, #tpu.memory_space<vmem>>[vector<16xi32>], vector<16xf32>,
          %add3A_278 = arith.constant 8 : i32
          %add3A_279 = vector.broadcast %add3A_278 : i32 to vector<16xi32>
          %add3A_280 = arith.addi %add3A_277, %add3A_279 : vector<16xi32>
          tpu.vector_store_idx %arg11[%add3A_280], %gather3A_275 : memref<16384xf32, #tpu.memory_space<vmem>>[vector<16xi32>], vector<16xf32>,
          %add3A_281 = vector.broadcast %mul3A_252 : i32 to vector<16xi32>
          %add3A_282 = arith.addi %add3A_281, %add3A_20 : vector<16xi32>
          %gather3A_283 = tpu.vector_load_idx %arg5[%and3A_2, %add3A_282] : memref<8x1024xf32, #tpu.memory_space<vmem>>[vector<16xi32>, vector<16xi32>], vector<16xf32>,
          %gather3A_284 = tpu.vector_load_idx %arg6[%and3A_2, %add3A_282] : memref<8x1024xf32, #tpu.memory_space<vmem>>[vector<16xi32>, vector<16xi32>], vector<16xf32>,
          %add3A_285 = vector.broadcast %mul3A_254 : i32 to vector<16xi32>
          %add3A_286 = arith.addi %add3A_285, %add3A_44 : vector<16xi32>
          tpu.vector_store_idx %arg11[%add3A_286], %gather3A_283 : memref<16384xf32, #tpu.memory_space<vmem>>[vector<16xi32>], vector<16xf32>,
          %add3A_287 = arith.constant 8 : i32
          %add3A_288 = vector.broadcast %add3A_287 : i32 to vector<16xi32>
          %add3A_289 = arith.addi %add3A_286, %add3A_288 : vector<16xi32>
          tpu.vector_store_idx %arg11[%add3A_289], %gather3A_284 : memref<16384xf32, #tpu.memory_space<vmem>>[vector<16xi32>], vector<16xf32>,
          %add3A_290 = vector.broadcast %mul3A_252 : i32 to vector<16xi32>
          %add3A_291 = arith.addi %add3A_290, %add3A_23 : vector<16xi32>
          %gather3A_292 = tpu.vector_load_idx %arg5[%and3A_2, %add3A_291] : memref<8x1024xf32, #tpu.memory_space<vmem>>[vector<16xi32>, vector<16xi32>], vector<16xf32>,
          %gather3A_293 = tpu.vector_load_idx %arg6[%and3A_2, %add3A_291] : memref<8x1024xf32, #tpu.memory_space<vmem>>[vector<16xi32>, vector<16xi32>], vector<16xf32>,
          %add3A_294 = vector.broadcast %mul3A_254 : i32 to vector<16xi32>
          %add3A_295 = arith.addi %add3A_294, %add3A_47 : vector<16xi32>
          tpu.vector_store_idx %arg11[%add3A_295], %gather3A_292 : memref<16384xf32, #tpu.memory_space<vmem>>[vector<16xi32>], vector<16xf32>,
          %add3A_296 = arith.constant 8 : i32
          %add3A_297 = vector.broadcast %add3A_296 : i32 to vector<16xi32>
          %add3A_298 = arith.addi %add3A_295, %add3A_297 : vector<16xi32>
          tpu.vector_store_idx %arg11[%add3A_298], %gather3A_293 : memref<16384xf32, #tpu.memory_space<vmem>>[vector<16xi32>], vector<16xf32>,
          %add3A_299 = vector.broadcast %mul3A_252 : i32 to vector<16xi32>
          %add3A_300 = arith.addi %add3A_299, %add3A_26 : vector<16xi32>
          %gather3A_301 = tpu.vector_load_idx %arg5[%and3A_2, %add3A_300] : memref<8x1024xf32, #tpu.memory_space<vmem>>[vector<16xi32>, vector<16xi32>], vector<16xf32>,
          %gather3A_302 = tpu.vector_load_idx %arg6[%and3A_2, %add3A_300] : memref<8x1024xf32, #tpu.memory_space<vmem>>[vector<16xi32>, vector<16xi32>], vector<16xf32>,
          %add3A_303 = vector.broadcast %mul3A_254 : i32 to vector<16xi32>
          %add3A_304 = arith.addi %add3A_303, %add3A_50 : vector<16xi32>
          tpu.vector_store_idx %arg11[%add3A_304], %gather3A_301 : memref<16384xf32, #tpu.memory_space<vmem>>[vector<16xi32>], vector<16xf32>,
          %add3A_305 = arith.constant 8 : i32
          %add3A_306 = vector.broadcast %add3A_305 : i32 to vector<16xi32>
          %add3A_307 = arith.addi %add3A_304, %add3A_306 : vector<16xi32>
          tpu.vector_store_idx %arg11[%add3A_307], %gather3A_302 : memref<16384xf32, #tpu.memory_space<vmem>>[vector<16xi32>], vector<16xf32>,
          %add3A_308 = vector.broadcast %mul3A_252 : i32 to vector<16xi32>
          %add3A_309 = arith.addi %add3A_308, %add3A_29 : vector<16xi32>
          %gather3A_310 = tpu.vector_load_idx %arg5[%and3A_2, %add3A_309] : memref<8x1024xf32, #tpu.memory_space<vmem>>[vector<16xi32>, vector<16xi32>], vector<16xf32>,
          %gather3A_311 = tpu.vector_load_idx %arg6[%and3A_2, %add3A_309] : memref<8x1024xf32, #tpu.memory_space<vmem>>[vector<16xi32>, vector<16xi32>], vector<16xf32>,
          %add3A_312 = vector.broadcast %mul3A_254 : i32 to vector<16xi32>
          %add3A_313 = arith.addi %add3A_312, %add3A_53 : vector<16xi32>
          tpu.vector_store_idx %arg11[%add3A_313], %gather3A_310 : memref<16384xf32, #tpu.memory_space<vmem>>[vector<16xi32>], vector<16xf32>,
          %add3A_314 = arith.constant 8 : i32
          %add3A_315 = vector.broadcast %add3A_314 : i32 to vector<16xi32>
          %add3A_316 = arith.addi %add3A_313, %add3A_315 : vector<16xi32>
          tpu.vector_store_idx %arg11[%add3A_316], %gather3A_311 : memref<16384xf32, #tpu.memory_space<vmem>>[vector<16xi32>], vector<16xf32>,
          %add3A_317 = vector.broadcast %mul3A_252 : i32 to vector<16xi32>
          %add3A_318 = arith.addi %add3A_317, %add3A_32 : vector<16xi32>
          %gather3A_319 = tpu.vector_load_idx %arg5[%and3A_2, %add3A_318] : memref<8x1024xf32, #tpu.memory_space<vmem>>[vector<16xi32>, vector<16xi32>], vector<16xf32>,
          %gather3A_320 = tpu.vector_load_idx %arg6[%and3A_2, %add3A_318] : memref<8x1024xf32, #tpu.memory_space<vmem>>[vector<16xi32>, vector<16xi32>], vector<16xf32>,
          %add3A_321 = vector.broadcast %mul3A_254 : i32 to vector<16xi32>
          %add3A_322 = arith.addi %add3A_321, %add3A_56 : vector<16xi32>
          tpu.vector_store_idx %arg11[%add3A_322], %gather3A_319 : memref<16384xf32, #tpu.memory_space<vmem>>[vector<16xi32>], vector<16xf32>,
          %add3A_323 = arith.constant 8 : i32
          %add3A_324 = vector.broadcast %add3A_323 : i32 to vector<16xi32>
          %add3A_325 = arith.addi %add3A_322, %add3A_324 : vector<16xi32>
          tpu.vector_store_idx %arg11[%add3A_325], %gather3A_320 : memref<16384xf32, #tpu.memory_space<vmem>>[vector<16xi32>], vector<16xf32>,
        }
        %scan3A_234 = arith.constant 64 : i32
        %mul3A_235 = arith.constant 32 : i32
        %mul3A_236 = arith.muli %mul3A_235, %add3A_174 : i32
        %add3A_237 = arith.addi %add3A, %mul3A_236 : i32
        %mul3A_238 = arith.constant 1024 : i32
        %mul3A_239 = arith.muli %add3A_237, %mul3A_238 : i32
        %mul3A_240 = arith.constant 16 : i32
        %mul3A_241 = arith.muli %mul3A_239, %mul3A_240 : i32
        %dma_start3A_242 = tpu.memref_slice %arg4[%mul3A_241] : memref<16000000xf32, #tpu.memory_space<hbm>> -> memref<16384xf32, #tpu.memory_space<hbm>>
        %dma_start3A_243 = tpu.memref_slice %arg4[%mul3A_241] : memref<16000000xf32, #tpu.memory_space<hbm>> -> memref<16384xf32, #tpu.memory_space<hbm>>
        tpu.enqueue_dma source(%arg11 : memref<16384xf32, #tpu.memory_space<vmem>>) target(%dma_start3A_243 : memref<16384xf32, #tpu.memory_space<hbm>>) target_semaphore(%arg18 : memref<!tpu.dma_semaphore, #tpu.memory_space<semaphore_mem>>)
        %add3A_244 = arith.constant 3 : i32
        %add3A_245 = arith.addi %add3A_174, %add3A_244 : i32
        %lt3A_246 = arith.cmpi slt, %add3A_245, %select_n3A : i32
        %convert_element_type3A_247 = arith.extui %lt3A_246 : i1 to i32
        %cond3A_248 = arith.constant 0 : i32
        %cond3A_249 = arith.cmpi ne, %convert_element_type3A_247, %cond3A_248 : i32
        scf.if %cond3A_249 {
          %add3A_250 = arith.constant 3 : i32
          %add3A_251 = arith.addi %add3A_174, %add3A_250 : i32
          %mul3A_252 = arith.constant 32 : i32
          %mul3A_253 = arith.muli %mul3A_252, %add3A_251 : i32
          %add3A_254 = arith.addi %add3A, %mul3A_253 : i32
          %mul3A_255 = arith.constant 1024 : i32
          %mul3A_256 = arith.muli %add3A_254, %mul3A_255 : i32
          %dma_start3A_257 = arith.constant 0 : i32
          %dma_start3A_258 = arith.constant 0 : i32
          %dma_start3A_259 = arith.constant 0 : i32
          %dma_start3A_260 = tpu.memref_slice %arg2[%dma_start3A_257, %dma_start3A_258, %dma_start3A_259] : memref<2x8x1000000xf32, #tpu.memory_space<hbm>> -> memref<1x8x1000000xf32, #tpu.memory_space<hbm>>
          %dma_start3A_261 = tpu.memref_squeeze %dma_start3A_260 : memref<1x8x1000000xf32, #tpu.memory_space<hbm>> -> memref<8x1000000xf32, #tpu.memory_space<hbm>>
          %dma_start3A_262 = arith.constant 0 : i32
          %dma_start3A_263 = tpu.memref_slice %dma_start3A_261[%dma_start3A_262, %mul3A_256] : memref<8x1000000xf32, #tpu.memory_space<hbm>> -> memref<8x1024xf32, #tpu.memory_space<hbm>>
          %dma_start3A_264 = arith.constant 0 : i32
          %dma_start3A_265 = arith.constant 0 : i32
          %dma_start3A_266 = tpu.memref_slice %arg2[%dma_start3A_257, %dma_start3A_264, %dma_start3A_265] : memref<2x8x1000000xf32, #tpu.memory_space<hbm>> -> memref<1x8x1000000xf32, #tpu.memory_space<hbm>>
          %dma_start3A_267 = tpu.memref_squeeze %dma_start3A_266 : memref<1x8x1000000xf32, #tpu.memory_space<hbm>> -> memref<8x1000000xf32, #tpu.memory_space<hbm>>
          %dma_start3A_268 = arith.constant 0 : i32
          %dma_start3A_269 = tpu.memref_slice %dma_start3A_267[%dma_start3A_268, %mul3A_256] : memref<8x1000000xf32, #tpu.memory_space<hbm>> -> memref<8x1024xf32, #tpu.memory_space<hbm>>
          tpu.enqueue_dma source(%dma_start3A_269 : memref<8x1024xf32, #tpu.memory_space<hbm>>) target(%arg5 : memref<8x1024xf32, #tpu.memory_space<vmem>>) target_semaphore(%arg15 : memref<!tpu.dma_semaphore, #tpu.memory_space<semaphore_mem>>)
          %dma_start3A_270 = arith.constant 1 : i32
          %dma_start3A_271 = arith.constant 0 : i32
          %dma_start3A_272 = arith.constant 0 : i32
          %dma_start3A_273 = tpu.memref_slice %arg2[%dma_start3A_270, %dma_start3A_271, %dma_start3A_272] : memref<2x8x1000000xf32, #tpu.memory_space<hbm>> -> memref<1x8x1000000xf32, #tpu.memory_space<hbm>>
          %dma_start3A_274 = tpu.memref_squeeze %dma_start3A_273 : memref<1x8x1000000xf32, #tpu.memory_space<hbm>> -> memref<8x1000000xf32, #tpu.memory_space<hbm>>
          %dma_start3A_275 = arith.constant 0 : i32
          %dma_start3A_276 = tpu.memref_slice %dma_start3A_274[%dma_start3A_275, %mul3A_256] : memref<8x1000000xf32, #tpu.memory_space<hbm>> -> memref<8x1024xf32, #tpu.memory_space<hbm>>
          %dma_start3A_277 = arith.constant 0 : i32
          %dma_start3A_278 = arith.constant 0 : i32
          %dma_start3A_279 = tpu.memref_slice %arg2[%dma_start3A_270, %dma_start3A_277, %dma_start3A_278] : memref<2x8x1000000xf32, #tpu.memory_space<hbm>> -> memref<1x8x1000000xf32, #tpu.memory_space<hbm>>
          %dma_start3A_280 = tpu.memref_squeeze %dma_start3A_279 : memref<1x8x1000000xf32, #tpu.memory_space<hbm>> -> memref<8x1000000xf32, #tpu.memory_space<hbm>>
          %dma_start3A_281 = arith.constant 0 : i32
          %dma_start3A_282 = tpu.memref_slice %dma_start3A_280[%dma_start3A_281, %mul3A_256] : memref<8x1000000xf32, #tpu.memory_space<hbm>> -> memref<8x1024xf32, #tpu.memory_space<hbm>>
          tpu.enqueue_dma source(%dma_start3A_282 : memref<8x1024xf32, #tpu.memory_space<hbm>>) target(%arg6 : memref<8x1024xf32, #tpu.memory_space<vmem>>) target_semaphore(%arg15 : memref<!tpu.dma_semaphore, #tpu.memory_space<semaphore_mem>>)
        } else {
        }
      } else {
      }
      %mul3A_179 = arith.constant 3 : i32
      %mul3A_180 = arith.muli %mul3A_179, %scan3A_170 : i32
      %add3A_181 = arith.constant 1 : i32
      %add3A_182 = arith.addi %mul3A_180, %add3A_181 : i32
      %lt3A_183 = arith.cmpi slt, %add3A_182, %select_n3A : i32
      %convert_element_type3A_184 = arith.extui %lt3A_183 : i1 to i32
      %cond3A_185 = arith.constant 0 : i32
      %cond3A_186 = arith.cmpi ne, %convert_element_type3A_184, %cond3A_185 : i32
      scf.if %cond3A_186 {
        %mul3A_195 = arith.constant 32 : i32
        %mul3A_196 = arith.muli %mul3A_195, %add3A_182 : i32
        %add3A_197 = arith.addi %add3A, %mul3A_196 : i32
        %mul3A_198 = arith.constant 1024 : i32
        %mul3A_199 = arith.muli %add3A_197, %mul3A_198 : i32
        %dma_wait3A = arith.constant 0 : i32
        %dma_wait3A_200 = arith.constant 0 : i32
        %dma_wait3A_201 = arith.constant 0 : i32
        %dma_wait3A_202 = tpu.memref_slice %arg2[%dma_wait3A, %dma_wait3A_200, %dma_wait3A_201] : memref<2x8x1000000xf32, #tpu.memory_space<hbm>> -> memref<1x8x1000000xf32, #tpu.memory_space<hbm>>
        %dma_wait3A_203 = tpu.memref_squeeze %dma_wait3A_202 : memref<1x8x1000000xf32, #tpu.memory_space<hbm>> -> memref<8x1000000xf32, #tpu.memory_space<hbm>>
        %dma_wait3A_204 = arith.constant 0 : i32
        %dma_wait3A_205 = tpu.memref_slice %dma_wait3A_203[%dma_wait3A_204, %mul3A_199] : memref<8x1000000xf32, #tpu.memory_space<hbm>> -> memref<8x1024xf32, #tpu.memory_space<hbm>>
        %dma_wait3A_206 = arith.constant 0 : i32
        %dma_wait3A_207 = arith.constant 0 : i32
        %dma_wait3A_208 = tpu.memref_slice %arg2[%dma_wait3A, %dma_wait3A_206, %dma_wait3A_207] : memref<2x8x1000000xf32, #tpu.memory_space<hbm>> -> memref<1x8x1000000xf32, #tpu.memory_space<hbm>>
        %dma_wait3A_209 = tpu.memref_squeeze %dma_wait3A_208 : memref<1x8x1000000xf32, #tpu.memory_space<hbm>> -> memref<8x1000000xf32, #tpu.memory_space<hbm>>
        %dma_wait3A_210 = arith.constant 0 : i32
        %dma_wait3A_211 = tpu.memref_slice %dma_wait3A_209[%dma_wait3A_210, %mul3A_199] : memref<8x1000000xf32, #tpu.memory_space<hbm>> -> memref<8x1024xf32, #tpu.memory_space<hbm>>
        tpu.wait_dma2 semaphore(%arg16 : memref<!tpu.dma_semaphore, #tpu.memory_space<semaphore_mem>>) src(%dma_wait3A_211 : memref<8x1024xf32, #tpu.memory_space<hbm>>) dst(%arg7 : memref<8x1024xf32, #tpu.memory_space<vmem>>)
        %dma_wait3A_212 = arith.constant 1 : i32
        %dma_wait3A_213 = arith.constant 0 : i32
        %dma_wait3A_214 = arith.constant 0 : i32
        %dma_wait3A_215 = tpu.memref_slice %arg2[%dma_wait3A_212, %dma_wait3A_213, %dma_wait3A_214] : memref<2x8x1000000xf32, #tpu.memory_space<hbm>> -> memref<1x8x1000000xf32, #tpu.memory_space<hbm>>
        %dma_wait3A_216 = tpu.memref_squeeze %dma_wait3A_215 : memref<1x8x1000000xf32, #tpu.memory_space<hbm>> -> memref<8x1000000xf32, #tpu.memory_space<hbm>>
        %dma_wait3A_217 = arith.constant 0 : i32
        %dma_wait3A_218 = tpu.memref_slice %dma_wait3A_216[%dma_wait3A_217, %mul3A_199] : memref<8x1000000xf32, #tpu.memory_space<hbm>> -> memref<8x1024xf32, #tpu.memory_space<hbm>>
        %dma_wait3A_219 = arith.constant 0 : i32
        %dma_wait3A_220 = arith.constant 0 : i32
        %dma_wait3A_221 = tpu.memref_slice %arg2[%dma_wait3A_212, %dma_wait3A_219, %dma_wait3A_220] : memref<2x8x1000000xf32, #tpu.memory_space<hbm>> -> memref<1x8x1000000xf32, #tpu.memory_space<hbm>>
        %dma_wait3A_222 = tpu.memref_squeeze %dma_wait3A_221 : memref<1x8x1000000xf32, #tpu.memory_space<hbm>> -> memref<8x1000000xf32, #tpu.memory_space<hbm>>
        %dma_wait3A_223 = arith.constant 0 : i32
        %dma_wait3A_224 = tpu.memref_slice %dma_wait3A_222[%dma_wait3A_223, %mul3A_199] : memref<8x1000000xf32, #tpu.memory_space<hbm>> -> memref<8x1024xf32, #tpu.memory_space<hbm>>
        tpu.wait_dma2 semaphore(%arg16 : memref<!tpu.dma_semaphore, #tpu.memory_space<semaphore_mem>>) src(%dma_wait3A_224 : memref<8x1024xf32, #tpu.memory_space<hbm>>) dst(%arg8 : memref<8x1024xf32, #tpu.memory_space<vmem>>)
        %ge3A = arith.constant 3 : i32
        %ge3A_225 = arith.cmpi sge, %add3A_182, %ge3A : i32
        %convert_element_type3A_226 = arith.extui %ge3A_225 : i1 to i32
        %cond3A_227 = arith.constant 0 : i32
        %cond3A_228 = arith.cmpi ne, %convert_element_type3A_226, %cond3A_227 : i32
        scf.if %cond3A_228 {
          %sub3A = arith.constant 3 : i32
          %sub3A_250 = arith.subi %add3A_182, %sub3A : i32
          %mul3A_251 = arith.constant 32 : i32
          %mul3A_252 = arith.muli %mul3A_251, %sub3A_250 : i32
          %add3A_253 = arith.addi %add3A, %mul3A_252 : i32
          %mul3A_254 = arith.constant 1024 : i32
          %mul3A_255 = arith.muli %add3A_253, %mul3A_254 : i32
          %mul3A_256 = arith.constant 16 : i32
          %mul3A_257 = arith.muli %mul3A_255, %mul3A_256 : i32
          %dma_wait3A_258 = tpu.memref_slice %arg4[%mul3A_257] : memref<16000000xf32, #tpu.memory_space<hbm>> -> memref<16384xf32, #tpu.memory_space<hbm>>
          %dma_wait3A_259 = tpu.memref_slice %arg4[%mul3A_257] : memref<16000000xf32, #tpu.memory_space<hbm>> -> memref<16384xf32, #tpu.memory_space<hbm>>
          tpu.wait_dma2 semaphore(%arg19 : memref<!tpu.dma_semaphore, #tpu.memory_space<semaphore_mem>>) src(%arg12 : memref<16384xf32, #tpu.memory_space<vmem>>) dst(%dma_wait3A_259 : memref<16384xf32, #tpu.memory_space<hbm>>)
        } else {
        }
        %scan3A_229 = arith.constant 0 : i32
        %scan3A_230 = arith.constant 0 : i32
        %scan3A_231 = arith.constant 64 : i32
        %scan3A_232 = arith.addi %scan3A_230, %scan3A_231 : i32
        %scan3A_233 = arith.constant 1 : i32
        scf.for %scan3A_250 = %scan3A_230 to %scan3A_232 step %scan3A_233  : i32 {
          %mul3A_251 = arith.constant 16 : i32
          %mul3A_252 = arith.muli %mul3A_251, %scan3A_250 : i32
          %mul3A_253 = arith.constant 256 : i32
          %mul3A_254 = arith.muli %mul3A_253, %scan3A_250 : i32
          %add3A_255 = vector.broadcast %mul3A_252 : i32 to vector<16xi32>
          %add3A_256 = arith.addi %add3A_255, %add3A_11 : vector<16xi32>
          %gather3A = tpu.vector_load_idx %arg7[%and3A_2, %add3A_256] : memref<8x1024xf32, #tpu.memory_space<vmem>>[vector<16xi32>, vector<16xi32>], vector<16xf32>,
          %gather3A_257 = tpu.vector_load_idx %arg8[%and3A_2, %add3A_256] : memref<8x1024xf32, #tpu.memory_space<vmem>>[vector<16xi32>, vector<16xi32>], vector<16xf32>,
          %add3A_258 = vector.broadcast %mul3A_254 : i32 to vector<16xi32>
          %add3A_259 = arith.addi %add3A_258, %add3A_35 : vector<16xi32>
          tpu.vector_store_idx %arg12[%add3A_259], %gather3A : memref<16384xf32, #tpu.memory_space<vmem>>[vector<16xi32>], vector<16xf32>,
          %add3A_260 = arith.constant 8 : i32
          %add3A_261 = vector.broadcast %add3A_260 : i32 to vector<16xi32>
          %add3A_262 = arith.addi %add3A_259, %add3A_261 : vector<16xi32>
          tpu.vector_store_idx %arg12[%add3A_262], %gather3A_257 : memref<16384xf32, #tpu.memory_space<vmem>>[vector<16xi32>], vector<16xf32>,
          %add3A_263 = vector.broadcast %mul3A_252 : i32 to vector<16xi32>
          %add3A_264 = arith.addi %add3A_263, %add3A_14 : vector<16xi32>
          %gather3A_265 = tpu.vector_load_idx %arg7[%and3A_2, %add3A_264] : memref<8x1024xf32, #tpu.memory_space<vmem>>[vector<16xi32>, vector<16xi32>], vector<16xf32>,
          %gather3A_266 = tpu.vector_load_idx %arg8[%and3A_2, %add3A_264] : memref<8x1024xf32, #tpu.memory_space<vmem>>[vector<16xi32>, vector<16xi32>], vector<16xf32>,
          %add3A_267 = vector.broadcast %mul3A_254 : i32 to vector<16xi32>
          %add3A_268 = arith.addi %add3A_267, %add3A_38 : vector<16xi32>
          tpu.vector_store_idx %arg12[%add3A_268], %gather3A_265 : memref<16384xf32, #tpu.memory_space<vmem>>[vector<16xi32>], vector<16xf32>,
          %add3A_269 = arith.constant 8 : i32
          %add3A_270 = vector.broadcast %add3A_269 : i32 to vector<16xi32>
          %add3A_271 = arith.addi %add3A_268, %add3A_270 : vector<16xi32>
          tpu.vector_store_idx %arg12[%add3A_271], %gather3A_266 : memref<16384xf32, #tpu.memory_space<vmem>>[vector<16xi32>], vector<16xf32>,
          %add3A_272 = vector.broadcast %mul3A_252 : i32 to vector<16xi32>
          %add3A_273 = arith.addi %add3A_272, %add3A_17 : vector<16xi32>
          %gather3A_274 = tpu.vector_load_idx %arg7[%and3A_2, %add3A_273] : memref<8x1024xf32, #tpu.memory_space<vmem>>[vector<16xi32>, vector<16xi32>], vector<16xf32>,
          %gather3A_275 = tpu.vector_load_idx %arg8[%and3A_2, %add3A_273] : memref<8x1024xf32, #tpu.memory_space<vmem>>[vector<16xi32>, vector<16xi32>], vector<16xf32>,
          %add3A_276 = vector.broadcast %mul3A_254 : i32 to vector<16xi32>
          %add3A_277 = arith.addi %add3A_276, %add3A_41 : vector<16xi32>
          tpu.vector_store_idx %arg12[%add3A_277], %gather3A_274 : memref<16384xf32, #tpu.memory_space<vmem>>[vector<16xi32>], vector<16xf32>,
          %add3A_278 = arith.constant 8 : i32
          %add3A_279 = vector.broadcast %add3A_278 : i32 to vector<16xi32>
          %add3A_280 = arith.addi %add3A_277, %add3A_279 : vector<16xi32>
          tpu.vector_store_idx %arg12[%add3A_280], %gather3A_275 : memref<16384xf32, #tpu.memory_space<vmem>>[vector<16xi32>], vector<16xf32>,
          %add3A_281 = vector.broadcast %mul3A_252 : i32 to vector<16xi32>
          %add3A_282 = arith.addi %add3A_281, %add3A_20 : vector<16xi32>
          %gather3A_283 = tpu.vector_load_idx %arg7[%and3A_2, %add3A_282] : memref<8x1024xf32, #tpu.memory_space<vmem>>[vector<16xi32>, vector<16xi32>], vector<16xf32>,
          %gather3A_284 = tpu.vector_load_idx %arg8[%and3A_2, %add3A_282] : memref<8x1024xf32, #tpu.memory_space<vmem>>[vector<16xi32>, vector<16xi32>], vector<16xf32>,
          %add3A_285 = vector.broadcast %mul3A_254 : i32 to vector<16xi32>
          %add3A_286 = arith.addi %add3A_285, %add3A_44 : vector<16xi32>
          tpu.vector_store_idx %arg12[%add3A_286], %gather3A_283 : memref<16384xf32, #tpu.memory_space<vmem>>[vector<16xi32>], vector<16xf32>,
          %add3A_287 = arith.constant 8 : i32
          %add3A_288 = vector.broadcast %add3A_287 : i32 to vector<16xi32>
          %add3A_289 = arith.addi %add3A_286, %add3A_288 : vector<16xi32>
          tpu.vector_store_idx %arg12[%add3A_289], %gather3A_284 : memref<16384xf32, #tpu.memory_space<vmem>>[vector<16xi32>], vector<16xf32>,
          %add3A_290 = vector.broadcast %mul3A_252 : i32 to vector<16xi32>
          %add3A_291 = arith.addi %add3A_290, %add3A_23 : vector<16xi32>
          %gather3A_292 = tpu.vector_load_idx %arg7[%and3A_2, %add3A_291] : memref<8x1024xf32, #tpu.memory_space<vmem>>[vector<16xi32>, vector<16xi32>], vector<16xf32>,
          %gather3A_293 = tpu.vector_load_idx %arg8[%and3A_2, %add3A_291] : memref<8x1024xf32, #tpu.memory_space<vmem>>[vector<16xi32>, vector<16xi32>], vector<16xf32>,
          %add3A_294 = vector.broadcast %mul3A_254 : i32 to vector<16xi32>
          %add3A_295 = arith.addi %add3A_294, %add3A_47 : vector<16xi32>
          tpu.vector_store_idx %arg12[%add3A_295], %gather3A_292 : memref<16384xf32, #tpu.memory_space<vmem>>[vector<16xi32>], vector<16xf32>,
          %add3A_296 = arith.constant 8 : i32
          %add3A_297 = vector.broadcast %add3A_296 : i32 to vector<16xi32>
          %add3A_298 = arith.addi %add3A_295, %add3A_297 : vector<16xi32>
          tpu.vector_store_idx %arg12[%add3A_298], %gather3A_293 : memref<16384xf32, #tpu.memory_space<vmem>>[vector<16xi32>], vector<16xf32>,
          %add3A_299 = vector.broadcast %mul3A_252 : i32 to vector<16xi32>
          %add3A_300 = arith.addi %add3A_299, %add3A_26 : vector<16xi32>
          %gather3A_301 = tpu.vector_load_idx %arg7[%and3A_2, %add3A_300] : memref<8x1024xf32, #tpu.memory_space<vmem>>[vector<16xi32>, vector<16xi32>], vector<16xf32>,
          %gather3A_302 = tpu.vector_load_idx %arg8[%and3A_2, %add3A_300] : memref<8x1024xf32, #tpu.memory_space<vmem>>[vector<16xi32>, vector<16xi32>], vector<16xf32>,
          %add3A_303 = vector.broadcast %mul3A_254 : i32 to vector<16xi32>
          %add3A_304 = arith.addi %add3A_303, %add3A_50 : vector<16xi32>
          tpu.vector_store_idx %arg12[%add3A_304], %gather3A_301 : memref<16384xf32, #tpu.memory_space<vmem>>[vector<16xi32>], vector<16xf32>,
          %add3A_305 = arith.constant 8 : i32
          %add3A_306 = vector.broadcast %add3A_305 : i32 to vector<16xi32>
          %add3A_307 = arith.addi %add3A_304, %add3A_306 : vector<16xi32>
          tpu.vector_store_idx %arg12[%add3A_307], %gather3A_302 : memref<16384xf32, #tpu.memory_space<vmem>>[vector<16xi32>], vector<16xf32>,
          %add3A_308 = vector.broadcast %mul3A_252 : i32 to vector<16xi32>
          %add3A_309 = arith.addi %add3A_308, %add3A_29 : vector<16xi32>
          %gather3A_310 = tpu.vector_load_idx %arg7[%and3A_2, %add3A_309] : memref<8x1024xf32, #tpu.memory_space<vmem>>[vector<16xi32>, vector<16xi32>], vector<16xf32>,
          %gather3A_311 = tpu.vector_load_idx %arg8[%and3A_2, %add3A_309] : memref<8x1024xf32, #tpu.memory_space<vmem>>[vector<16xi32>, vector<16xi32>], vector<16xf32>,
          %add3A_312 = vector.broadcast %mul3A_254 : i32 to vector<16xi32>
          %add3A_313 = arith.addi %add3A_312, %add3A_53 : vector<16xi32>
          tpu.vector_store_idx %arg12[%add3A_313], %gather3A_310 : memref<16384xf32, #tpu.memory_space<vmem>>[vector<16xi32>], vector<16xf32>,
          %add3A_314 = arith.constant 8 : i32
          %add3A_315 = vector.broadcast %add3A_314 : i32 to vector<16xi32>
          %add3A_316 = arith.addi %add3A_313, %add3A_315 : vector<16xi32>
          tpu.vector_store_idx %arg12[%add3A_316], %gather3A_311 : memref<16384xf32, #tpu.memory_space<vmem>>[vector<16xi32>], vector<16xf32>,
          %add3A_317 = vector.broadcast %mul3A_252 : i32 to vector<16xi32>
          %add3A_318 = arith.addi %add3A_317, %add3A_32 : vector<16xi32>
          %gather3A_319 = tpu.vector_load_idx %arg7[%and3A_2, %add3A_318] : memref<8x1024xf32, #tpu.memory_space<vmem>>[vector<16xi32>, vector<16xi32>], vector<16xf32>,
          %gather3A_320 = tpu.vector_load_idx %arg8[%and3A_2, %add3A_318] : memref<8x1024xf32, #tpu.memory_space<vmem>>[vector<16xi32>, vector<16xi32>], vector<16xf32>,
          %add3A_321 = vector.broadcast %mul3A_254 : i32 to vector<16xi32>
          %add3A_322 = arith.addi %add3A_321, %add3A_56 : vector<16xi32>
          tpu.vector_store_idx %arg12[%add3A_322], %gather3A_319 : memref<16384xf32, #tpu.memory_space<vmem>>[vector<16xi32>], vector<16xf32>,
          %add3A_323 = arith.constant 8 : i32
          %add3A_324 = vector.broadcast %add3A_323 : i32 to vector<16xi32>
          %add3A_325 = arith.addi %add3A_322, %add3A_324 : vector<16xi32>
          tpu.vector_store_idx %arg12[%add3A_325], %gather3A_320 : memref<16384xf32, #tpu.memory_space<vmem>>[vector<16xi32>], vector<16xf32>,
        }
        %scan3A_234 = arith.constant 64 : i32
        %mul3A_235 = arith.constant 32 : i32
        %mul3A_236 = arith.muli %mul3A_235, %add3A_182 : i32
        %add3A_237 = arith.addi %add3A, %mul3A_236 : i32
        %mul3A_238 = arith.constant 1024 : i32
        %mul3A_239 = arith.muli %add3A_237, %mul3A_238 : i32
        %mul3A_240 = arith.constant 16 : i32
        %mul3A_241 = arith.muli %mul3A_239, %mul3A_240 : i32
        %dma_start3A_242 = tpu.memref_slice %arg4[%mul3A_241] : memref<16000000xf32, #tpu.memory_space<hbm>> -> memref<16384xf32, #tpu.memory_space<hbm>>
        %dma_start3A_243 = tpu.memref_slice %arg4[%mul3A_241] : memref<16000000xf32, #tpu.memory_space<hbm>> -> memref<16384xf32, #tpu.memory_space<hbm>>
        tpu.enqueue_dma source(%arg12 : memref<16384xf32, #tpu.memory_space<vmem>>) target(%dma_start3A_243 : memref<16384xf32, #tpu.memory_space<hbm>>) target_semaphore(%arg19 : memref<!tpu.dma_semaphore, #tpu.memory_space<semaphore_mem>>)
        %add3A_244 = arith.constant 3 : i32
        %add3A_245 = arith.addi %add3A_182, %add3A_244 : i32
        %lt3A_246 = arith.cmpi slt, %add3A_245, %select_n3A : i32
        %convert_element_type3A_247 = arith.extui %lt3A_246 : i1 to i32
        %cond3A_248 = arith.constant 0 : i32
        %cond3A_249 = arith.cmpi ne, %convert_element_type3A_247, %cond3A_248 : i32
        scf.if %cond3A_249 {
          %add3A_250 = arith.constant 3 : i32
          %add3A_251 = arith.addi %add3A_182, %add3A_250 : i32
          %mul3A_252 = arith.constant 32 : i32
          %mul3A_253 = arith.muli %mul3A_252, %add3A_251 : i32
          %add3A_254 = arith.addi %add3A, %mul3A_253 : i32
          %mul3A_255 = arith.constant 1024 : i32
          %mul3A_256 = arith.muli %add3A_254, %mul3A_255 : i32
          %dma_start3A_257 = arith.constant 0 : i32
          %dma_start3A_258 = arith.constant 0 : i32
          %dma_start3A_259 = arith.constant 0 : i32
          %dma_start3A_260 = tpu.memref_slice %arg2[%dma_start3A_257, %dma_start3A_258, %dma_start3A_259] : memref<2x8x1000000xf32, #tpu.memory_space<hbm>> -> memref<1x8x1000000xf32, #tpu.memory_space<hbm>>
          %dma_start3A_261 = tpu.memref_squeeze %dma_start3A_260 : memref<1x8x1000000xf32, #tpu.memory_space<hbm>> -> memref<8x1000000xf32, #tpu.memory_space<hbm>>
          %dma_start3A_262 = arith.constant 0 : i32
          %dma_start3A_263 = tpu.memref_slice %dma_start3A_261[%dma_start3A_262, %mul3A_256] : memref<8x1000000xf32, #tpu.memory_space<hbm>> -> memref<8x1024xf32, #tpu.memory_space<hbm>>
          %dma_start3A_264 = arith.constant 0 : i32
          %dma_start3A_265 = arith.constant 0 : i32
          %dma_start3A_266 = tpu.memref_slice %arg2[%dma_start3A_257, %dma_start3A_264, %dma_start3A_265] : memref<2x8x1000000xf32, #tpu.memory_space<hbm>> -> memref<1x8x1000000xf32, #tpu.memory_space<hbm>>
          %dma_start3A_267 = tpu.memref_squeeze %dma_start3A_266 : memref<1x8x1000000xf32, #tpu.memory_space<hbm>> -> memref<8x1000000xf32, #tpu.memory_space<hbm>>
          %dma_start3A_268 = arith.constant 0 : i32
          %dma_start3A_269 = tpu.memref_slice %dma_start3A_267[%dma_start3A_268, %mul3A_256] : memref<8x1000000xf32, #tpu.memory_space<hbm>> -> memref<8x1024xf32, #tpu.memory_space<hbm>>
          tpu.enqueue_dma source(%dma_start3A_269 : memref<8x1024xf32, #tpu.memory_space<hbm>>) target(%arg7 : memref<8x1024xf32, #tpu.memory_space<vmem>>) target_semaphore(%arg16 : memref<!tpu.dma_semaphore, #tpu.memory_space<semaphore_mem>>)
          %dma_start3A_270 = arith.constant 1 : i32
          %dma_start3A_271 = arith.constant 0 : i32
          %dma_start3A_272 = arith.constant 0 : i32
          %dma_start3A_273 = tpu.memref_slice %arg2[%dma_start3A_270, %dma_start3A_271, %dma_start3A_272] : memref<2x8x1000000xf32, #tpu.memory_space<hbm>> -> memref<1x8x1000000xf32, #tpu.memory_space<hbm>>
          %dma_start3A_274 = tpu.memref_squeeze %dma_start3A_273 : memref<1x8x1000000xf32, #tpu.memory_space<hbm>> -> memref<8x1000000xf32, #tpu.memory_space<hbm>>
          %dma_start3A_275 = arith.constant 0 : i32
          %dma_start3A_276 = tpu.memref_slice %dma_start3A_274[%dma_start3A_275, %mul3A_256] : memref<8x1000000xf32, #tpu.memory_space<hbm>> -> memref<8x1024xf32, #tpu.memory_space<hbm>>
          %dma_start3A_277 = arith.constant 0 : i32
          %dma_start3A_278 = arith.constant 0 : i32
          %dma_start3A_279 = tpu.memref_slice %arg2[%dma_start3A_270, %dma_start3A_277, %dma_start3A_278] : memref<2x8x1000000xf32, #tpu.memory_space<hbm>> -> memref<1x8x1000000xf32, #tpu.memory_space<hbm>>
          %dma_start3A_280 = tpu.memref_squeeze %dma_start3A_279 : memref<1x8x1000000xf32, #tpu.memory_space<hbm>> -> memref<8x1000000xf32, #tpu.memory_space<hbm>>
          %dma_start3A_281 = arith.constant 0 : i32
          %dma_start3A_282 = tpu.memref_slice %dma_start3A_280[%dma_start3A_281, %mul3A_256] : memref<8x1000000xf32, #tpu.memory_space<hbm>> -> memref<8x1024xf32, #tpu.memory_space<hbm>>
          tpu.enqueue_dma source(%dma_start3A_282 : memref<8x1024xf32, #tpu.memory_space<hbm>>) target(%arg8 : memref<8x1024xf32, #tpu.memory_space<vmem>>) target_semaphore(%arg16 : memref<!tpu.dma_semaphore, #tpu.memory_space<semaphore_mem>>)
        } else {
        }
      } else {
      }
      %mul3A_187 = arith.constant 3 : i32
      %mul3A_188 = arith.muli %mul3A_187, %scan3A_170 : i32
      %add3A_189 = arith.constant 2 : i32
      %add3A_190 = arith.addi %mul3A_188, %add3A_189 : i32
      %lt3A_191 = arith.cmpi slt, %add3A_190, %select_n3A : i32
      %convert_element_type3A_192 = arith.extui %lt3A_191 : i1 to i32
      %cond3A_193 = arith.constant 0 : i32
      %cond3A_194 = arith.cmpi ne, %convert_element_type3A_192, %cond3A_193 : i32
      scf.if %cond3A_194 {
        %mul3A_195 = arith.constant 32 : i32
        %mul3A_196 = arith.muli %mul3A_195, %add3A_190 : i32
        %add3A_197 = arith.addi %add3A, %mul3A_196 : i32
        %mul3A_198 = arith.constant 1024 : i32
        %mul3A_199 = arith.muli %add3A_197, %mul3A_198 : i32
        %dma_wait3A = arith.constant 0 : i32
        %dma_wait3A_200 = arith.constant 0 : i32
        %dma_wait3A_201 = arith.constant 0 : i32
        %dma_wait3A_202 = tpu.memref_slice %arg2[%dma_wait3A, %dma_wait3A_200, %dma_wait3A_201] : memref<2x8x1000000xf32, #tpu.memory_space<hbm>> -> memref<1x8x1000000xf32, #tpu.memory_space<hbm>>
        %dma_wait3A_203 = tpu.memref_squeeze %dma_wait3A_202 : memref<1x8x1000000xf32, #tpu.memory_space<hbm>> -> memref<8x1000000xf32, #tpu.memory_space<hbm>>
        %dma_wait3A_204 = arith.constant 0 : i32
        %dma_wait3A_205 = tpu.memref_slice %dma_wait3A_203[%dma_wait3A_204, %mul3A_199] : memref<8x1000000xf32, #tpu.memory_space<hbm>> -> memref<8x1024xf32, #tpu.memory_space<hbm>>
        %dma_wait3A_206 = arith.constant 0 : i32
        %dma_wait3A_207 = arith.constant 0 : i32
        %dma_wait3A_208 = tpu.memref_slice %arg2[%dma_wait3A, %dma_wait3A_206, %dma_wait3A_207] : memref<2x8x1000000xf32, #tpu.memory_space<hbm>> -> memref<1x8x1000000xf32, #tpu.memory_space<hbm>>
        %dma_wait3A_209 = tpu.memref_squeeze %dma_wait3A_208 : memref<1x8x1000000xf32, #tpu.memory_space<hbm>> -> memref<8x1000000xf32, #tpu.memory_space<hbm>>
        %dma_wait3A_210 = arith.constant 0 : i32
        %dma_wait3A_211 = tpu.memref_slice %dma_wait3A_209[%dma_wait3A_210, %mul3A_199] : memref<8x1000000xf32, #tpu.memory_space<hbm>> -> memref<8x1024xf32, #tpu.memory_space<hbm>>
        tpu.wait_dma2 semaphore(%arg17 : memref<!tpu.dma_semaphore, #tpu.memory_space<semaphore_mem>>) src(%dma_wait3A_211 : memref<8x1024xf32, #tpu.memory_space<hbm>>) dst(%arg9 : memref<8x1024xf32, #tpu.memory_space<vmem>>)
        %dma_wait3A_212 = arith.constant 1 : i32
        %dma_wait3A_213 = arith.constant 0 : i32
        %dma_wait3A_214 = arith.constant 0 : i32
        %dma_wait3A_215 = tpu.memref_slice %arg2[%dma_wait3A_212, %dma_wait3A_213, %dma_wait3A_214] : memref<2x8x1000000xf32, #tpu.memory_space<hbm>> -> memref<1x8x1000000xf32, #tpu.memory_space<hbm>>
        %dma_wait3A_216 = tpu.memref_squeeze %dma_wait3A_215 : memref<1x8x1000000xf32, #tpu.memory_space<hbm>> -> memref<8x1000000xf32, #tpu.memory_space<hbm>>
        %dma_wait3A_217 = arith.constant 0 : i32
        %dma_wait3A_218 = tpu.memref_slice %dma_wait3A_216[%dma_wait3A_217, %mul3A_199] : memref<8x1000000xf32, #tpu.memory_space<hbm>> -> memref<8x1024xf32, #tpu.memory_space<hbm>>
        %dma_wait3A_219 = arith.constant 0 : i32
        %dma_wait3A_220 = arith.constant 0 : i32
        %dma_wait3A_221 = tpu.memref_slice %arg2[%dma_wait3A_212, %dma_wait3A_219, %dma_wait3A_220] : memref<2x8x1000000xf32, #tpu.memory_space<hbm>> -> memref<1x8x1000000xf32, #tpu.memory_space<hbm>>
        %dma_wait3A_222 = tpu.memref_squeeze %dma_wait3A_221 : memref<1x8x1000000xf32, #tpu.memory_space<hbm>> -> memref<8x1000000xf32, #tpu.memory_space<hbm>>
        %dma_wait3A_223 = arith.constant 0 : i32
        %dma_wait3A_224 = tpu.memref_slice %dma_wait3A_222[%dma_wait3A_223, %mul3A_199] : memref<8x1000000xf32, #tpu.memory_space<hbm>> -> memref<8x1024xf32, #tpu.memory_space<hbm>>
        tpu.wait_dma2 semaphore(%arg17 : memref<!tpu.dma_semaphore, #tpu.memory_space<semaphore_mem>>) src(%dma_wait3A_224 : memref<8x1024xf32, #tpu.memory_space<hbm>>) dst(%arg10 : memref<8x1024xf32, #tpu.memory_space<vmem>>)
        %ge3A = arith.constant 3 : i32
        %ge3A_225 = arith.cmpi sge, %add3A_190, %ge3A : i32
        %convert_element_type3A_226 = arith.extui %ge3A_225 : i1 to i32
        %cond3A_227 = arith.constant 0 : i32
        %cond3A_228 = arith.cmpi ne, %convert_element_type3A_226, %cond3A_227 : i32
        scf.if %cond3A_228 {
          %sub3A = arith.constant 3 : i32
          %sub3A_250 = arith.subi %add3A_190, %sub3A : i32
          %mul3A_251 = arith.constant 32 : i32
          %mul3A_252 = arith.muli %mul3A_251, %sub3A_250 : i32
          %add3A_253 = arith.addi %add3A, %mul3A_252 : i32
          %mul3A_254 = arith.constant 1024 : i32
          %mul3A_255 = arith.muli %add3A_253, %mul3A_254 : i32
          %mul3A_256 = arith.constant 16 : i32
          %mul3A_257 = arith.muli %mul3A_255, %mul3A_256 : i32
          %dma_wait3A_258 = tpu.memref_slice %arg4[%mul3A_257] : memref<16000000xf32, #tpu.memory_space<hbm>> -> memref<16384xf32, #tpu.memory_space<hbm>>
          %dma_wait3A_259 = tpu.memref_slice %arg4[%mul3A_257] : memref<16000000xf32, #tpu.memory_space<hbm>> -> memref<16384xf32, #tpu.memory_space<hbm>>
          tpu.wait_dma2 semaphore(%arg20 : memref<!tpu.dma_semaphore, #tpu.memory_space<semaphore_mem>>) src(%arg13 : memref<16384xf32, #tpu.memory_space<vmem>>) dst(%dma_wait3A_259 : memref<16384xf32, #tpu.memory_space<hbm>>)
        } else {
        }
        %scan3A_229 = arith.constant 0 : i32
        %scan3A_230 = arith.constant 0 : i32
        %scan3A_231 = arith.constant 64 : i32
        %scan3A_232 = arith.addi %scan3A_230, %scan3A_231 : i32
        %scan3A_233 = arith.constant 1 : i32
        scf.for %scan3A_250 = %scan3A_230 to %scan3A_232 step %scan3A_233  : i32 {
          %mul3A_251 = arith.constant 16 : i32
          %mul3A_252 = arith.muli %mul3A_251, %scan3A_250 : i32
          %mul3A_253 = arith.constant 256 : i32
          %mul3A_254 = arith.muli %mul3A_253, %scan3A_250 : i32
          %add3A_255 = vector.broadcast %mul3A_252 : i32 to vector<16xi32>
          %add3A_256 = arith.addi %add3A_255, %add3A_11 : vector<16xi32>
          %gather3A = tpu.vector_load_idx %arg9[%and3A_2, %add3A_256] : memref<8x1024xf32, #tpu.memory_space<vmem>>[vector<16xi32>, vector<16xi32>], vector<16xf32>,
          %gather3A_257 = tpu.vector_load_idx %arg10[%and3A_2, %add3A_256] : memref<8x1024xf32, #tpu.memory_space<vmem>>[vector<16xi32>, vector<16xi32>], vector<16xf32>,
          %add3A_258 = vector.broadcast %mul3A_254 : i32 to vector<16xi32>
          %add3A_259 = arith.addi %add3A_258, %add3A_35 : vector<16xi32>
          tpu.vector_store_idx %arg13[%add3A_259], %gather3A : memref<16384xf32, #tpu.memory_space<vmem>>[vector<16xi32>], vector<16xf32>,
          %add3A_260 = arith.constant 8 : i32
          %add3A_261 = vector.broadcast %add3A_260 : i32 to vector<16xi32>
          %add3A_262 = arith.addi %add3A_259, %add3A_261 : vector<16xi32>
          tpu.vector_store_idx %arg13[%add3A_262], %gather3A_257 : memref<16384xf32, #tpu.memory_space<vmem>>[vector<16xi32>], vector<16xf32>,
          %add3A_263 = vector.broadcast %mul3A_252 : i32 to vector<16xi32>
          %add3A_264 = arith.addi %add3A_263, %add3A_14 : vector<16xi32>
          %gather3A_265 = tpu.vector_load_idx %arg9[%and3A_2, %add3A_264] : memref<8x1024xf32, #tpu.memory_space<vmem>>[vector<16xi32>, vector<16xi32>], vector<16xf32>,
          %gather3A_266 = tpu.vector_load_idx %arg10[%and3A_2, %add3A_264] : memref<8x1024xf32, #tpu.memory_space<vmem>>[vector<16xi32>, vector<16xi32>], vector<16xf32>,
          %add3A_267 = vector.broadcast %mul3A_254 : i32 to vector<16xi32>
          %add3A_268 = arith.addi %add3A_267, %add3A_38 : vector<16xi32>
          tpu.vector_store_idx %arg13[%add3A_268], %gather3A_265 : memref<16384xf32, #tpu.memory_space<vmem>>[vector<16xi32>], vector<16xf32>,
          %add3A_269 = arith.constant 8 : i32
          %add3A_270 = vector.broadcast %add3A_269 : i32 to vector<16xi32>
          %add3A_271 = arith.addi %add3A_268, %add3A_270 : vector<16xi32>
          tpu.vector_store_idx %arg13[%add3A_271], %gather3A_266 : memref<16384xf32, #tpu.memory_space<vmem>>[vector<16xi32>], vector<16xf32>,
          %add3A_272 = vector.broadcast %mul3A_252 : i32 to vector<16xi32>
          %add3A_273 = arith.addi %add3A_272, %add3A_17 : vector<16xi32>
          %gather3A_274 = tpu.vector_load_idx %arg9[%and3A_2, %add3A_273] : memref<8x1024xf32, #tpu.memory_space<vmem>>[vector<16xi32>, vector<16xi32>], vector<16xf32>,
          %gather3A_275 = tpu.vector_load_idx %arg10[%and3A_2, %add3A_273] : memref<8x1024xf32, #tpu.memory_space<vmem>>[vector<16xi32>, vector<16xi32>], vector<16xf32>,
          %add3A_276 = vector.broadcast %mul3A_254 : i32 to vector<16xi32>
          %add3A_277 = arith.addi %add3A_276, %add3A_41 : vector<16xi32>
          tpu.vector_store_idx %arg13[%add3A_277], %gather3A_274 : memref<16384xf32, #tpu.memory_space<vmem>>[vector<16xi32>], vector<16xf32>,
          %add3A_278 = arith.constant 8 : i32
          %add3A_279 = vector.broadcast %add3A_278 : i32 to vector<16xi32>
          %add3A_280 = arith.addi %add3A_277, %add3A_279 : vector<16xi32>
          tpu.vector_store_idx %arg13[%add3A_280], %gather3A_275 : memref<16384xf32, #tpu.memory_space<vmem>>[vector<16xi32>], vector<16xf32>,
          %add3A_281 = vector.broadcast %mul3A_252 : i32 to vector<16xi32>
          %add3A_282 = arith.addi %add3A_281, %add3A_20 : vector<16xi32>
          %gather3A_283 = tpu.vector_load_idx %arg9[%and3A_2, %add3A_282] : memref<8x1024xf32, #tpu.memory_space<vmem>>[vector<16xi32>, vector<16xi32>], vector<16xf32>,
          %gather3A_284 = tpu.vector_load_idx %arg10[%and3A_2, %add3A_282] : memref<8x1024xf32, #tpu.memory_space<vmem>>[vector<16xi32>, vector<16xi32>], vector<16xf32>,
          %add3A_285 = vector.broadcast %mul3A_254 : i32 to vector<16xi32>
          %add3A_286 = arith.addi %add3A_285, %add3A_44 : vector<16xi32>
          tpu.vector_store_idx %arg13[%add3A_286], %gather3A_283 : memref<16384xf32, #tpu.memory_space<vmem>>[vector<16xi32>], vector<16xf32>,
          %add3A_287 = arith.constant 8 : i32
          %add3A_288 = vector.broadcast %add3A_287 : i32 to vector<16xi32>
          %add3A_289 = arith.addi %add3A_286, %add3A_288 : vector<16xi32>
          tpu.vector_store_idx %arg13[%add3A_289], %gather3A_284 : memref<16384xf32, #tpu.memory_space<vmem>>[vector<16xi32>], vector<16xf32>,
          %add3A_290 = vector.broadcast %mul3A_252 : i32 to vector<16xi32>
          %add3A_291 = arith.addi %add3A_290, %add3A_23 : vector<16xi32>
          %gather3A_292 = tpu.vector_load_idx %arg9[%and3A_2, %add3A_291] : memref<8x1024xf32, #tpu.memory_space<vmem>>[vector<16xi32>, vector<16xi32>], vector<16xf32>,
          %gather3A_293 = tpu.vector_load_idx %arg10[%and3A_2, %add3A_291] : memref<8x1024xf32, #tpu.memory_space<vmem>>[vector<16xi32>, vector<16xi32>], vector<16xf32>,
          %add3A_294 = vector.broadcast %mul3A_254 : i32 to vector<16xi32>
          %add3A_295 = arith.addi %add3A_294, %add3A_47 : vector<16xi32>
          tpu.vector_store_idx %arg13[%add3A_295], %gather3A_292 : memref<16384xf32, #tpu.memory_space<vmem>>[vector<16xi32>], vector<16xf32>,
          %add3A_296 = arith.constant 8 : i32
          %add3A_297 = vector.broadcast %add3A_296 : i32 to vector<16xi32>
          %add3A_298 = arith.addi %add3A_295, %add3A_297 : vector<16xi32>
          tpu.vector_store_idx %arg13[%add3A_298], %gather3A_293 : memref<16384xf32, #tpu.memory_space<vmem>>[vector<16xi32>], vector<16xf32>,
          %add3A_299 = vector.broadcast %mul3A_252 : i32 to vector<16xi32>
          %add3A_300 = arith.addi %add3A_299, %add3A_26 : vector<16xi32>
          %gather3A_301 = tpu.vector_load_idx %arg9[%and3A_2, %add3A_300] : memref<8x1024xf32, #tpu.memory_space<vmem>>[vector<16xi32>, vector<16xi32>], vector<16xf32>,
          %gather3A_302 = tpu.vector_load_idx %arg10[%and3A_2, %add3A_300] : memref<8x1024xf32, #tpu.memory_space<vmem>>[vector<16xi32>, vector<16xi32>], vector<16xf32>,
          %add3A_303 = vector.broadcast %mul3A_254 : i32 to vector<16xi32>
          %add3A_304 = arith.addi %add3A_303, %add3A_50 : vector<16xi32>
          tpu.vector_store_idx %arg13[%add3A_304], %gather3A_301 : memref<16384xf32, #tpu.memory_space<vmem>>[vector<16xi32>], vector<16xf32>,
          %add3A_305 = arith.constant 8 : i32
          %add3A_306 = vector.broadcast %add3A_305 : i32 to vector<16xi32>
          %add3A_307 = arith.addi %add3A_304, %add3A_306 : vector<16xi32>
          tpu.vector_store_idx %arg13[%add3A_307], %gather3A_302 : memref<16384xf32, #tpu.memory_space<vmem>>[vector<16xi32>], vector<16xf32>,
          %add3A_308 = vector.broadcast %mul3A_252 : i32 to vector<16xi32>
          %add3A_309 = arith.addi %add3A_308, %add3A_29 : vector<16xi32>
          %gather3A_310 = tpu.vector_load_idx %arg9[%and3A_2, %add3A_309] : memref<8x1024xf32, #tpu.memory_space<vmem>>[vector<16xi32>, vector<16xi32>], vector<16xf32>,
          %gather3A_311 = tpu.vector_load_idx %arg10[%and3A_2, %add3A_309] : memref<8x1024xf32, #tpu.memory_space<vmem>>[vector<16xi32>, vector<16xi32>], vector<16xf32>,
          %add3A_312 = vector.broadcast %mul3A_254 : i32 to vector<16xi32>
          %add3A_313 = arith.addi %add3A_312, %add3A_53 : vector<16xi32>
          tpu.vector_store_idx %arg13[%add3A_313], %gather3A_310 : memref<16384xf32, #tpu.memory_space<vmem>>[vector<16xi32>], vector<16xf32>,
          %add3A_314 = arith.constant 8 : i32
          %add3A_315 = vector.broadcast %add3A_314 : i32 to vector<16xi32>
          %add3A_316 = arith.addi %add3A_313, %add3A_315 : vector<16xi32>
          tpu.vector_store_idx %arg13[%add3A_316], %gather3A_311 : memref<16384xf32, #tpu.memory_space<vmem>>[vector<16xi32>], vector<16xf32>,
          %add3A_317 = vector.broadcast %mul3A_252 : i32 to vector<16xi32>
          %add3A_318 = arith.addi %add3A_317, %add3A_32 : vector<16xi32>
          %gather3A_319 = tpu.vector_load_idx %arg9[%and3A_2, %add3A_318] : memref<8x1024xf32, #tpu.memory_space<vmem>>[vector<16xi32>, vector<16xi32>], vector<16xf32>,
          %gather3A_320 = tpu.vector_load_idx %arg10[%and3A_2, %add3A_318] : memref<8x1024xf32, #tpu.memory_space<vmem>>[vector<16xi32>, vector<16xi32>], vector<16xf32>,
          %add3A_321 = vector.broadcast %mul3A_254 : i32 to vector<16xi32>
          %add3A_322 = arith.addi %add3A_321, %add3A_56 : vector<16xi32>
          tpu.vector_store_idx %arg13[%add3A_322], %gather3A_319 : memref<16384xf32, #tpu.memory_space<vmem>>[vector<16xi32>], vector<16xf32>,
          %add3A_323 = arith.constant 8 : i32
          %add3A_324 = vector.broadcast %add3A_323 : i32 to vector<16xi32>
          %add3A_325 = arith.addi %add3A_322, %add3A_324 : vector<16xi32>
          tpu.vector_store_idx %arg13[%add3A_325], %gather3A_320 : memref<16384xf32, #tpu.memory_space<vmem>>[vector<16xi32>], vector<16xf32>,
        }
        %scan3A_234 = arith.constant 64 : i32
        %mul3A_235 = arith.constant 32 : i32
        %mul3A_236 = arith.muli %mul3A_235, %add3A_190 : i32
        %add3A_237 = arith.addi %add3A, %mul3A_236 : i32
        %mul3A_238 = arith.constant 1024 : i32
        %mul3A_239 = arith.muli %add3A_237, %mul3A_238 : i32
        %mul3A_240 = arith.constant 16 : i32
        %mul3A_241 = arith.muli %mul3A_239, %mul3A_240 : i32
        %dma_start3A_242 = tpu.memref_slice %arg4[%mul3A_241] : memref<16000000xf32, #tpu.memory_space<hbm>> -> memref<16384xf32, #tpu.memory_space<hbm>>
        %dma_start3A_243 = tpu.memref_slice %arg4[%mul3A_241] : memref<16000000xf32, #tpu.memory_space<hbm>> -> memref<16384xf32, #tpu.memory_space<hbm>>
        tpu.enqueue_dma source(%arg13 : memref<16384xf32, #tpu.memory_space<vmem>>) target(%dma_start3A_243 : memref<16384xf32, #tpu.memory_space<hbm>>) target_semaphore(%arg20 : memref<!tpu.dma_semaphore, #tpu.memory_space<semaphore_mem>>)
        %add3A_244 = arith.constant 3 : i32
        %add3A_245 = arith.addi %add3A_190, %add3A_244 : i32
        %lt3A_246 = arith.cmpi slt, %add3A_245, %select_n3A : i32
        %convert_element_type3A_247 = arith.extui %lt3A_246 : i1 to i32
        %cond3A_248 = arith.constant 0 : i32
        %cond3A_249 = arith.cmpi ne, %convert_element_type3A_247, %cond3A_248 : i32
        scf.if %cond3A_249 {
          %add3A_250 = arith.constant 3 : i32
          %add3A_251 = arith.addi %add3A_190, %add3A_250 : i32
          %mul3A_252 = arith.constant 32 : i32
          %mul3A_253 = arith.muli %mul3A_252, %add3A_251 : i32
          %add3A_254 = arith.addi %add3A, %mul3A_253 : i32
          %mul3A_255 = arith.constant 1024 : i32
          %mul3A_256 = arith.muli %add3A_254, %mul3A_255 : i32
          %dma_start3A_257 = arith.constant 0 : i32
          %dma_start3A_258 = arith.constant 0 : i32
          %dma_start3A_259 = arith.constant 0 : i32
          %dma_start3A_260 = tpu.memref_slice %arg2[%dma_start3A_257, %dma_start3A_258, %dma_start3A_259] : memref<2x8x1000000xf32, #tpu.memory_space<hbm>> -> memref<1x8x1000000xf32, #tpu.memory_space<hbm>>
          %dma_start3A_261 = tpu.memref_squeeze %dma_start3A_260 : memref<1x8x1000000xf32, #tpu.memory_space<hbm>> -> memref<8x1000000xf32, #tpu.memory_space<hbm>>
          %dma_start3A_262 = arith.constant 0 : i32
          %dma_start3A_263 = tpu.memref_slice %dma_start3A_261[%dma_start3A_262, %mul3A_256] : memref<8x1000000xf32, #tpu.memory_space<hbm>> -> memref<8x1024xf32, #tpu.memory_space<hbm>>
          %dma_start3A_264 = arith.constant 0 : i32
          %dma_start3A_265 = arith.constant 0 : i32
          %dma_start3A_266 = tpu.memref_slice %arg2[%dma_start3A_257, %dma_start3A_264, %dma_start3A_265] : memref<2x8x1000000xf32, #tpu.memory_space<hbm>> -> memref<1x8x1000000xf32, #tpu.memory_space<hbm>>
          %dma_start3A_267 = tpu.memref_squeeze %dma_start3A_266 : memref<1x8x1000000xf32, #tpu.memory_space<hbm>> -> memref<8x1000000xf32, #tpu.memory_space<hbm>>
          %dma_start3A_268 = arith.constant 0 : i32
          %dma_start3A_269 = tpu.memref_slice %dma_start3A_267[%dma_start3A_268, %mul3A_256] : memref<8x1000000xf32, #tpu.memory_space<hbm>> -> memref<8x1024xf32, #tpu.memory_space<hbm>>
          tpu.enqueue_dma source(%dma_start3A_269 : memref<8x1024xf32, #tpu.memory_space<hbm>>) target(%arg9 : memref<8x1024xf32, #tpu.memory_space<vmem>>) target_semaphore(%arg17 : memref<!tpu.dma_semaphore, #tpu.memory_space<semaphore_mem>>)
          %dma_start3A_270 = arith.constant 1 : i32
          %dma_start3A_271 = arith.constant 0 : i32
          %dma_start3A_272 = arith.constant 0 : i32
          %dma_start3A_273 = tpu.memref_slice %arg2[%dma_start3A_270, %dma_start3A_271, %dma_start3A_272] : memref<2x8x1000000xf32, #tpu.memory_space<hbm>> -> memref<1x8x1000000xf32, #tpu.memory_space<hbm>>
          %dma_start3A_274 = tpu.memref_squeeze %dma_start3A_273 : memref<1x8x1000000xf32, #tpu.memory_space<hbm>> -> memref<8x1000000xf32, #tpu.memory_space<hbm>>
          %dma_start3A_275 = arith.constant 0 : i32
          %dma_start3A_276 = tpu.memref_slice %dma_start3A_274[%dma_start3A_275, %mul3A_256] : memref<8x1000000xf32, #tpu.memory_space<hbm>> -> memref<8x1024xf32, #tpu.memory_space<hbm>>
          %dma_start3A_277 = arith.constant 0 : i32
          %dma_start3A_278 = arith.constant 0 : i32
          %dma_start3A_279 = tpu.memref_slice %arg2[%dma_start3A_270, %dma_start3A_277, %dma_start3A_278] : memref<2x8x1000000xf32, #tpu.memory_space<hbm>> -> memref<1x8x1000000xf32, #tpu.memory_space<hbm>>
          %dma_start3A_280 = tpu.memref_squeeze %dma_start3A_279 : memref<1x8x1000000xf32, #tpu.memory_space<hbm>> -> memref<8x1000000xf32, #tpu.memory_space<hbm>>
          %dma_start3A_281 = arith.constant 0 : i32
          %dma_start3A_282 = tpu.memref_slice %dma_start3A_280[%dma_start3A_281, %mul3A_256] : memref<8x1000000xf32, #tpu.memory_space<hbm>> -> memref<8x1024xf32, #tpu.memory_space<hbm>>
          tpu.enqueue_dma source(%dma_start3A_282 : memref<8x1024xf32, #tpu.memory_space<hbm>>) target(%arg10 : memref<8x1024xf32, #tpu.memory_space<vmem>>) target_semaphore(%arg17 : memref<!tpu.dma_semaphore, #tpu.memory_space<semaphore_mem>>)
        } else {
        }
      } else {
      }
    }
    %scan3A_152 = arith.constant 11 : i32
    %eq3A = arith.constant 30 : i32
    %eq3A_153 = arith.cmpi eq, %select_n3A, %eq3A : i32
    %convert_element_type3A = arith.extui %eq3A_153 : i1 to i32
    %cond3A = arith.constant 0 : i32
    %cond3A_154 = arith.cmpi ne, %convert_element_type3A, %cond3A : i32
    scf.if %cond3A_154 {
      %add3A_170 = arith.constant 864 : i32
      %add3A_171 = arith.addi %add3A, %add3A_170 : i32
      %mul3A_172 = arith.constant 1024 : i32
      %mul3A_173 = arith.muli %add3A_171, %mul3A_172 : i32
      %mul3A_174 = arith.constant 16 : i32
      %mul3A_175 = arith.muli %mul3A_173, %mul3A_174 : i32
      %dma_wait3A = tpu.memref_slice %arg4[%mul3A_175] : memref<16000000xf32, #tpu.memory_space<hbm>> -> memref<16384xf32, #tpu.memory_space<hbm>>
      %dma_wait3A_176 = tpu.memref_slice %arg4[%mul3A_175] : memref<16000000xf32, #tpu.memory_space<hbm>> -> memref<16384xf32, #tpu.memory_space<hbm>>
      tpu.wait_dma2 semaphore(%arg18 : memref<!tpu.dma_semaphore, #tpu.memory_space<semaphore_mem>>) src(%arg11 : memref<16384xf32, #tpu.memory_space<vmem>>) dst(%dma_wait3A_176 : memref<16384xf32, #tpu.memory_space<hbm>>)
      %add3A_177 = arith.constant 896 : i32
      %add3A_178 = arith.addi %add3A, %add3A_177 : i32
      %mul3A_179 = arith.constant 1024 : i32
      %mul3A_180 = arith.muli %add3A_178, %mul3A_179 : i32
      %mul3A_181 = arith.constant 16 : i32
      %mul3A_182 = arith.muli %mul3A_180, %mul3A_181 : i32
      %dma_wait3A_183 = tpu.memref_slice %arg4[%mul3A_182] : memref<16000000xf32, #tpu.memory_space<hbm>> -> memref<16384xf32, #tpu.memory_space<hbm>>
      %dma_wait3A_184 = tpu.memref_slice %arg4[%mul3A_182] : memref<16000000xf32, #tpu.memory_space<hbm>> -> memref<16384xf32, #tpu.memory_space<hbm>>
      tpu.wait_dma2 semaphore(%arg19 : memref<!tpu.dma_semaphore, #tpu.memory_space<semaphore_mem>>) src(%arg12 : memref<16384xf32, #tpu.memory_space<vmem>>) dst(%dma_wait3A_184 : memref<16384xf32, #tpu.memory_space<hbm>>)
      %add3A_185 = arith.constant 928 : i32
      %add3A_186 = arith.addi %add3A, %add3A_185 : i32
      %mul3A_187 = arith.constant 1024 : i32
      %mul3A_188 = arith.muli %add3A_186, %mul3A_187 : i32
      %mul3A_189 = arith.constant 16 : i32
      %mul3A_190 = arith.muli %mul3A_188, %mul3A_189 : i32
      %dma_wait3A_191 = tpu.memref_slice %arg4[%mul3A_190] : memref<16000000xf32, #tpu.memory_space<hbm>> -> memref<16384xf32, #tpu.memory_space<hbm>>
      %dma_wait3A_192 = tpu.memref_slice %arg4[%mul3A_190] : memref<16000000xf32, #tpu.memory_space<hbm>> -> memref<16384xf32, #tpu.memory_space<hbm>>
      tpu.wait_dma2 semaphore(%arg20 : memref<!tpu.dma_semaphore, #tpu.memory_space<semaphore_mem>>) src(%arg13 : memref<16384xf32, #tpu.memory_space<vmem>>) dst(%dma_wait3A_192 : memref<16384xf32, #tpu.memory_space<hbm>>)
    } else {
    }
    %eq3A_155 = arith.constant 31 : i32
    %eq3A_156 = arith.cmpi eq, %select_n3A, %eq3A_155 : i32
    %convert_element_type3A_157 = arith.extui %eq3A_156 : i1 to i32
    %cond3A_158 = arith.constant 0 : i32
    %cond3A_159 = arith.cmpi ne, %convert_element_type3A_157, %cond3A_158 : i32
    scf.if %cond3A_159 {
      %add3A_170 = arith.constant 896 : i32
      %add3A_171 = arith.addi %add3A, %add3A_170 : i32
      %mul3A_172 = arith.constant 1024 : i32
      %mul3A_173 = arith.muli %add3A_171, %mul3A_172 : i32
      %mul3A_174 = arith.constant 16 : i32
      %mul3A_175 = arith.muli %mul3A_173, %mul3A_174 : i32
      %dma_wait3A = tpu.memref_slice %arg4[%mul3A_175] : memref<16000000xf32, #tpu.memory_space<hbm>> -> memref<16384xf32, #tpu.memory_space<hbm>>
      %dma_wait3A_176 = tpu.memref_slice %arg4[%mul3A_175] : memref<16000000xf32, #tpu.memory_space<hbm>> -> memref<16384xf32, #tpu.memory_space<hbm>>
      tpu.wait_dma2 semaphore(%arg19 : memref<!tpu.dma_semaphore, #tpu.memory_space<semaphore_mem>>) src(%arg12 : memref<16384xf32, #tpu.memory_space<vmem>>) dst(%dma_wait3A_176 : memref<16384xf32, #tpu.memory_space<hbm>>)
      %add3A_177 = arith.constant 928 : i32
      %add3A_178 = arith.addi %add3A, %add3A_177 : i32
      %mul3A_179 = arith.constant 1024 : i32
      %mul3A_180 = arith.muli %add3A_178, %mul3A_179 : i32
      %mul3A_181 = arith.constant 16 : i32
      %mul3A_182 = arith.muli %mul3A_180, %mul3A_181 : i32
      %dma_wait3A_183 = tpu.memref_slice %arg4[%mul3A_182] : memref<16000000xf32, #tpu.memory_space<hbm>> -> memref<16384xf32, #tpu.memory_space<hbm>>
      %dma_wait3A_184 = tpu.memref_slice %arg4[%mul3A_182] : memref<16000000xf32, #tpu.memory_space<hbm>> -> memref<16384xf32, #tpu.memory_space<hbm>>
      tpu.wait_dma2 semaphore(%arg20 : memref<!tpu.dma_semaphore, #tpu.memory_space<semaphore_mem>>) src(%arg13 : memref<16384xf32, #tpu.memory_space<vmem>>) dst(%dma_wait3A_184 : memref<16384xf32, #tpu.memory_space<hbm>>)
      %add3A_185 = arith.constant 960 : i32
      %add3A_186 = arith.addi %add3A, %add3A_185 : i32
      %mul3A_187 = arith.constant 1024 : i32
      %mul3A_188 = arith.muli %add3A_186, %mul3A_187 : i32
      %mul3A_189 = arith.constant 16 : i32
      %mul3A_190 = arith.muli %mul3A_188, %mul3A_189 : i32
      %dma_wait3A_191 = tpu.memref_slice %arg4[%mul3A_190] : memref<16000000xf32, #tpu.memory_space<hbm>> -> memref<16384xf32, #tpu.memory_space<hbm>>
      %dma_wait3A_192 = tpu.memref_slice %arg4[%mul3A_190] : memref<16000000xf32, #tpu.memory_space<hbm>> -> memref<16384xf32, #tpu.memory_space<hbm>>
      tpu.wait_dma2 semaphore(%arg18 : memref<!tpu.dma_semaphore, #tpu.memory_space<semaphore_mem>>) src(%arg11 : memref<16384xf32, #tpu.memory_space<vmem>>) dst(%dma_wait3A_192 : memref<16384xf32, #tpu.memory_space<hbm>>)
    } else {
    }
    %eq3A_160 = arith.constant 0 : i32
    %eq3A_161 = arith.cmpi eq, %add3A, %eq3A_160 : i32
    %convert_element_type3A_162 = arith.extui %eq3A_161 : i1 to i32
    %cond3A_163 = arith.constant 0 : i32
    %cond3A_164 = arith.cmpi ne, %convert_element_type3A_162, %cond3A_163 : i32
    scf.if %cond3A_164 {
      %run_scoped3A = arith.constant 0 : i32
      "tpu.region"() ({
        %run_scoped3A_177 = tpu.sem_alloc : memref<!tpu.dma_semaphore, #tpu.memory_space<semaphore_mem>>
        %dma_start3A_178 = arith.constant 0 : i32
        %dma_start3A_179 = arith.constant 0 : i32
        %dma_start3A_180 = tpu.memref_slice %arg5[%dma_start3A_178, %dma_start3A_179] : memref<8x1024xf32, #tpu.memory_space<vmem>> -> memref<8x512xf32, #tpu.memory_space<vmem>>
        %dma_start3A_181 = arith.constant 0 : i32
        %dma_start3A_182 = arith.constant 0 : i32
        %dma_start3A_183 = tpu.memref_slice %arg2[%run_scoped3A, %dma_start3A_181, %dma_start3A_182] : memref<2x8x1000000xf32, #tpu.memory_space<hbm>> -> memref<1x8x1000000xf32, #tpu.memory_space<hbm>>
        %dma_start3A_184 = tpu.memref_squeeze %dma_start3A_183 : memref<1x8x1000000xf32, #tpu.memory_space<hbm>> -> memref<8x1000000xf32, #tpu.memory_space<hbm>>
        %dma_start3A_185 = arith.constant 0 : i32
        %dma_start3A_186 = arith.constant 999424 : i32
        %dma_start3A_187 = tpu.memref_slice %dma_start3A_184[%dma_start3A_185, %dma_start3A_186] : memref<8x1000000xf32, #tpu.memory_space<hbm>> -> memref<8x512xf32, #tpu.memory_space<hbm>>
        %dma_start3A_188 = arith.constant 0 : i32
        %dma_start3A_189 = arith.constant 0 : i32
        %dma_start3A_190 = tpu.memref_slice %arg5[%dma_start3A_188, %dma_start3A_189] : memref<8x1024xf32, #tpu.memory_space<vmem>> -> memref<8x512xf32, #tpu.memory_space<vmem>>
        %dma_start3A_191 = arith.constant 0 : i32
        %dma_start3A_192 = arith.constant 0 : i32
        %dma_start3A_193 = tpu.memref_slice %arg2[%run_scoped3A, %dma_start3A_191, %dma_start3A_192] : memref<2x8x1000000xf32, #tpu.memory_space<hbm>> -> memref<1x8x1000000xf32, #tpu.memory_space<hbm>>
        %dma_start3A_194 = tpu.memref_squeeze %dma_start3A_193 : memref<1x8x1000000xf32, #tpu.memory_space<hbm>> -> memref<8x1000000xf32, #tpu.memory_space<hbm>>
        %dma_start3A_195 = arith.constant 0 : i32
        %dma_start3A_196 = arith.constant 999424 : i32
        %dma_start3A_197 = tpu.memref_slice %dma_start3A_194[%dma_start3A_195, %dma_start3A_196] : memref<8x1000000xf32, #tpu.memory_space<hbm>> -> memref<8x512xf32, #tpu.memory_space<hbm>>
        tpu.enqueue_dma source(%dma_start3A_197 : memref<8x512xf32, #tpu.memory_space<hbm>>) target(%dma_start3A_190 : memref<8x512xf32, #tpu.memory_space<vmem>>) target_semaphore(%run_scoped3A_177 : memref<!tpu.dma_semaphore, #tpu.memory_space<semaphore_mem>>)
        %dma_wait3A = arith.constant 0 : i32
        %dma_wait3A_198 = arith.constant 0 : i32
        %dma_wait3A_199 = tpu.memref_slice %arg5[%dma_wait3A, %dma_wait3A_198] : memref<8x1024xf32, #tpu.memory_space<vmem>> -> memref<8x512xf32, #tpu.memory_space<vmem>>
        %dma_wait3A_200 = arith.constant 0 : i32
        %dma_wait3A_201 = arith.constant 0 : i32
        %dma_wait3A_202 = tpu.memref_slice %arg2[%run_scoped3A, %dma_wait3A_200, %dma_wait3A_201] : memref<2x8x1000000xf32, #tpu.memory_space<hbm>> -> memref<1x8x1000000xf32, #tpu.memory_space<hbm>>
        %dma_wait3A_203 = tpu.memref_squeeze %dma_wait3A_202 : memref<1x8x1000000xf32, #tpu.memory_space<hbm>> -> memref<8x1000000xf32, #tpu.memory_space<hbm>>
        %dma_wait3A_204 = arith.constant 0 : i32
        %dma_wait3A_205 = arith.constant 999424 : i32
        %dma_wait3A_206 = tpu.memref_slice %dma_wait3A_203[%dma_wait3A_204, %dma_wait3A_205] : memref<8x1000000xf32, #tpu.memory_space<hbm>> -> memref<8x512xf32, #tpu.memory_space<hbm>>
        %dma_wait3A_207 = arith.constant 0 : i32
        %dma_wait3A_208 = arith.constant 0 : i32
        %dma_wait3A_209 = tpu.memref_slice %arg5[%dma_wait3A_207, %dma_wait3A_208] : memref<8x1024xf32, #tpu.memory_space<vmem>> -> memref<8x512xf32, #tpu.memory_space<vmem>>
        %dma_wait3A_210 = arith.constant 0 : i32
        %dma_wait3A_211 = arith.constant 0 : i32
        %dma_wait3A_212 = tpu.memref_slice %arg2[%run_scoped3A, %dma_wait3A_210, %dma_wait3A_211] : memref<2x8x1000000xf32, #tpu.memory_space<hbm>> -> memref<1x8x1000000xf32, #tpu.memory_space<hbm>>
        %dma_wait3A_213 = tpu.memref_squeeze %dma_wait3A_212 : memref<1x8x1000000xf32, #tpu.memory_space<hbm>> -> memref<8x1000000xf32, #tpu.memory_space<hbm>>
        %dma_wait3A_214 = arith.constant 0 : i32
        %dma_wait3A_215 = arith.constant 999424 : i32
        %dma_wait3A_216 = tpu.memref_slice %dma_wait3A_213[%dma_wait3A_214, %dma_wait3A_215] : memref<8x1000000xf32, #tpu.memory_space<hbm>> -> memref<8x512xf32, #tpu.memory_space<hbm>>
        tpu.wait_dma2 semaphore(%run_scoped3A_177 : memref<!tpu.dma_semaphore, #tpu.memory_space<semaphore_mem>>) src(%dma_wait3A_216 : memref<8x512xf32, #tpu.memory_space<hbm>>) dst(%dma_wait3A_209 : memref<8x512xf32, #tpu.memory_space<vmem>>)
        tpu.yield
      }) : () -> ()
      %run_scoped3A_170 = arith.constant 1 : i32
      "tpu.region"() ({
        %run_scoped3A_177 = tpu.sem_alloc : memref<!tpu.dma_semaphore, #tpu.memory_space<semaphore_mem>>
        %dma_start3A_178 = arith.constant 0 : i32
        %dma_start3A_179 = arith.constant 0 : i32
        %dma_start3A_180 = tpu.memref_slice %arg6[%dma_start3A_178, %dma_start3A_179] : memref<8x1024xf32, #tpu.memory_space<vmem>> -> memref<8x512xf32, #tpu.memory_space<vmem>>
        %dma_start3A_181 = arith.constant 0 : i32
        %dma_start3A_182 = arith.constant 0 : i32
        %dma_start3A_183 = tpu.memref_slice %arg2[%run_scoped3A_170, %dma_start3A_181, %dma_start3A_182] : memref<2x8x1000000xf32, #tpu.memory_space<hbm>> -> memref<1x8x1000000xf32, #tpu.memory_space<hbm>>
        %dma_start3A_184 = tpu.memref_squeeze %dma_start3A_183 : memref<1x8x1000000xf32, #tpu.memory_space<hbm>> -> memref<8x1000000xf32, #tpu.memory_space<hbm>>
        %dma_start3A_185 = arith.constant 0 : i32
        %dma_start3A_186 = arith.constant 999424 : i32
        %dma_start3A_187 = tpu.memref_slice %dma_start3A_184[%dma_start3A_185, %dma_start3A_186] : memref<8x1000000xf32, #tpu.memory_space<hbm>> -> memref<8x512xf32, #tpu.memory_space<hbm>>
        %dma_start3A_188 = arith.constant 0 : i32
        %dma_start3A_189 = arith.constant 0 : i32
        %dma_start3A_190 = tpu.memref_slice %arg6[%dma_start3A_188, %dma_start3A_189] : memref<8x1024xf32, #tpu.memory_space<vmem>> -> memref<8x512xf32, #tpu.memory_space<vmem>>
        %dma_start3A_191 = arith.constant 0 : i32
        %dma_start3A_192 = arith.constant 0 : i32
        %dma_start3A_193 = tpu.memref_slice %arg2[%run_scoped3A_170, %dma_start3A_191, %dma_start3A_192] : memref<2x8x1000000xf32, #tpu.memory_space<hbm>> -> memref<1x8x1000000xf32, #tpu.memory_space<hbm>>
        %dma_start3A_194 = tpu.memref_squeeze %dma_start3A_193 : memref<1x8x1000000xf32, #tpu.memory_space<hbm>> -> memref<8x1000000xf32, #tpu.memory_space<hbm>>
        %dma_start3A_195 = arith.constant 0 : i32
        %dma_start3A_196 = arith.constant 999424 : i32
        %dma_start3A_197 = tpu.memref_slice %dma_start3A_194[%dma_start3A_195, %dma_start3A_196] : memref<8x1000000xf32, #tpu.memory_space<hbm>> -> memref<8x512xf32, #tpu.memory_space<hbm>>
        tpu.enqueue_dma source(%dma_start3A_197 : memref<8x512xf32, #tpu.memory_space<hbm>>) target(%dma_start3A_190 : memref<8x512xf32, #tpu.memory_space<vmem>>) target_semaphore(%run_scoped3A_177 : memref<!tpu.dma_semaphore, #tpu.memory_space<semaphore_mem>>)
        %dma_wait3A = arith.constant 0 : i32
        %dma_wait3A_198 = arith.constant 0 : i32
        %dma_wait3A_199 = tpu.memref_slice %arg6[%dma_wait3A, %dma_wait3A_198] : memref<8x1024xf32, #tpu.memory_space<vmem>> -> memref<8x512xf32, #tpu.memory_space<vmem>>
        %dma_wait3A_200 = arith.constant 0 : i32
        %dma_wait3A_201 = arith.constant 0 : i32
        %dma_wait3A_202 = tpu.memref_slice %arg2[%run_scoped3A_170, %dma_wait3A_200, %dma_wait3A_201] : memref<2x8x1000000xf32, #tpu.memory_space<hbm>> -> memref<1x8x1000000xf32, #tpu.memory_space<hbm>>
        %dma_wait3A_203 = tpu.memref_squeeze %dma_wait3A_202 : memref<1x8x1000000xf32, #tpu.memory_space<hbm>> -> memref<8x1000000xf32, #tpu.memory_space<hbm>>
        %dma_wait3A_204 = arith.constant 0 : i32
        %dma_wait3A_205 = arith.constant 999424 : i32
        %dma_wait3A_206 = tpu.memref_slice %dma_wait3A_203[%dma_wait3A_204, %dma_wait3A_205] : memref<8x1000000xf32, #tpu.memory_space<hbm>> -> memref<8x512xf32, #tpu.memory_space<hbm>>
        %dma_wait3A_207 = arith.constant 0 : i32
        %dma_wait3A_208 = arith.constant 0 : i32
        %dma_wait3A_209 = tpu.memref_slice %arg6[%dma_wait3A_207, %dma_wait3A_208] : memref<8x1024xf32, #tpu.memory_space<vmem>> -> memref<8x512xf32, #tpu.memory_space<vmem>>
        %dma_wait3A_210 = arith.constant 0 : i32
        %dma_wait3A_211 = arith.constant 0 : i32
        %dma_wait3A_212 = tpu.memref_slice %arg2[%run_scoped3A_170, %dma_wait3A_210, %dma_wait3A_211] : memref<2x8x1000000xf32, #tpu.memory_space<hbm>> -> memref<1x8x1000000xf32, #tpu.memory_space<hbm>>
        %dma_wait3A_213 = tpu.memref_squeeze %dma_wait3A_212 : memref<1x8x1000000xf32, #tpu.memory_space<hbm>> -> memref<8x1000000xf32, #tpu.memory_space<hbm>>
        %dma_wait3A_214 = arith.constant 0 : i32
        %dma_wait3A_215 = arith.constant 999424 : i32
        %dma_wait3A_216 = tpu.memref_slice %dma_wait3A_213[%dma_wait3A_214, %dma_wait3A_215] : memref<8x1000000xf32, #tpu.memory_space<hbm>> -> memref<8x512xf32, #tpu.memory_space<hbm>>
        tpu.wait_dma2 semaphore(%run_scoped3A_177 : memref<!tpu.dma_semaphore, #tpu.memory_space<semaphore_mem>>) src(%dma_wait3A_216 : memref<8x512xf32, #tpu.memory_space<hbm>>) dst(%dma_wait3A_209 : memref<8x512xf32, #tpu.memory_space<vmem>>)
        tpu.yield
      }) : () -> ()
      %scan3A_171 = arith.constant 0 : i32
      %scan3A_172 = arith.constant 0 : i32
      %scan3A_173 = arith.constant 32 : i32
      %scan3A_174 = arith.addi %scan3A_172, %scan3A_173 : i32
      %scan3A_175 = arith.constant 1 : i32
      scf.for %scan3A_177 = %scan3A_172 to %scan3A_174 step %scan3A_175  : i32 {
        %mul3A_178 = arith.constant 16 : i32
        %mul3A_179 = arith.muli %mul3A_178, %scan3A_177 : i32
        %mul3A_180 = arith.constant 256 : i32
        %mul3A_181 = arith.muli %mul3A_180, %scan3A_177 : i32
        %add3A_182 = vector.broadcast %mul3A_179 : i32 to vector<16xi32>
        %add3A_183 = arith.addi %add3A_182, %add3A_11 : vector<16xi32>
        %gather3A = tpu.vector_load_idx %arg5[%and3A_2, %add3A_183] : memref<8x1024xf32, #tpu.memory_space<vmem>>[vector<16xi32>, vector<16xi32>], vector<16xf32>,
        %gather3A_184 = tpu.vector_load_idx %arg6[%and3A_2, %add3A_183] : memref<8x1024xf32, #tpu.memory_space<vmem>>[vector<16xi32>, vector<16xi32>], vector<16xf32>,
        %add3A_185 = vector.broadcast %mul3A_181 : i32 to vector<16xi32>
        %add3A_186 = arith.addi %add3A_185, %add3A_35 : vector<16xi32>
        tpu.vector_store_idx %arg11[%add3A_186], %gather3A : memref<16384xf32, #tpu.memory_space<vmem>>[vector<16xi32>], vector<16xf32>,
        %add3A_187 = arith.constant 8 : i32
        %add3A_188 = vector.broadcast %add3A_187 : i32 to vector<16xi32>
        %add3A_189 = arith.addi %add3A_186, %add3A_188 : vector<16xi32>
        tpu.vector_store_idx %arg11[%add3A_189], %gather3A_184 : memref<16384xf32, #tpu.memory_space<vmem>>[vector<16xi32>], vector<16xf32>,
        %add3A_190 = vector.broadcast %mul3A_179 : i32 to vector<16xi32>
        %add3A_191 = arith.addi %add3A_190, %add3A_14 : vector<16xi32>
        %gather3A_192 = tpu.vector_load_idx %arg5[%and3A_2, %add3A_191] : memref<8x1024xf32, #tpu.memory_space<vmem>>[vector<16xi32>, vector<16xi32>], vector<16xf32>,
        %gather3A_193 = tpu.vector_load_idx %arg6[%and3A_2, %add3A_191] : memref<8x1024xf32, #tpu.memory_space<vmem>>[vector<16xi32>, vector<16xi32>], vector<16xf32>,
        %add3A_194 = vector.broadcast %mul3A_181 : i32 to vector<16xi32>
        %add3A_195 = arith.addi %add3A_194, %add3A_38 : vector<16xi32>
        tpu.vector_store_idx %arg11[%add3A_195], %gather3A_192 : memref<16384xf32, #tpu.memory_space<vmem>>[vector<16xi32>], vector<16xf32>,
        %add3A_196 = arith.constant 8 : i32
        %add3A_197 = vector.broadcast %add3A_196 : i32 to vector<16xi32>
        %add3A_198 = arith.addi %add3A_195, %add3A_197 : vector<16xi32>
        tpu.vector_store_idx %arg11[%add3A_198], %gather3A_193 : memref<16384xf32, #tpu.memory_space<vmem>>[vector<16xi32>], vector<16xf32>,
        %add3A_199 = vector.broadcast %mul3A_179 : i32 to vector<16xi32>
        %add3A_200 = arith.addi %add3A_199, %add3A_17 : vector<16xi32>
        %gather3A_201 = tpu.vector_load_idx %arg5[%and3A_2, %add3A_200] : memref<8x1024xf32, #tpu.memory_space<vmem>>[vector<16xi32>, vector<16xi32>], vector<16xf32>,
        %gather3A_202 = tpu.vector_load_idx %arg6[%and3A_2, %add3A_200] : memref<8x1024xf32, #tpu.memory_space<vmem>>[vector<16xi32>, vector<16xi32>], vector<16xf32>,
        %add3A_203 = vector.broadcast %mul3A_181 : i32 to vector<16xi32>
        %add3A_204 = arith.addi %add3A_203, %add3A_41 : vector<16xi32>
        tpu.vector_store_idx %arg11[%add3A_204], %gather3A_201 : memref<16384xf32, #tpu.memory_space<vmem>>[vector<16xi32>], vector<16xf32>,
        %add3A_205 = arith.constant 8 : i32
        %add3A_206 = vector.broadcast %add3A_205 : i32 to vector<16xi32>
        %add3A_207 = arith.addi %add3A_204, %add3A_206 : vector<16xi32>
        tpu.vector_store_idx %arg11[%add3A_207], %gather3A_202 : memref<16384xf32, #tpu.memory_space<vmem>>[vector<16xi32>], vector<16xf32>,
        %add3A_208 = vector.broadcast %mul3A_179 : i32 to vector<16xi32>
        %add3A_209 = arith.addi %add3A_208, %add3A_20 : vector<16xi32>
        %gather3A_210 = tpu.vector_load_idx %arg5[%and3A_2, %add3A_209] : memref<8x1024xf32, #tpu.memory_space<vmem>>[vector<16xi32>, vector<16xi32>], vector<16xf32>,
        %gather3A_211 = tpu.vector_load_idx %arg6[%and3A_2, %add3A_209] : memref<8x1024xf32, #tpu.memory_space<vmem>>[vector<16xi32>, vector<16xi32>], vector<16xf32>,
        %add3A_212 = vector.broadcast %mul3A_181 : i32 to vector<16xi32>
        %add3A_213 = arith.addi %add3A_212, %add3A_44 : vector<16xi32>
        tpu.vector_store_idx %arg11[%add3A_213], %gather3A_210 : memref<16384xf32, #tpu.memory_space<vmem>>[vector<16xi32>], vector<16xf32>,
        %add3A_214 = arith.constant 8 : i32
        %add3A_215 = vector.broadcast %add3A_214 : i32 to vector<16xi32>
        %add3A_216 = arith.addi %add3A_213, %add3A_215 : vector<16xi32>
        tpu.vector_store_idx %arg11[%add3A_216], %gather3A_211 : memref<16384xf32, #tpu.memory_space<vmem>>[vector<16xi32>], vector<16xf32>,
        %add3A_217 = vector.broadcast %mul3A_179 : i32 to vector<16xi32>
        %add3A_218 = arith.addi %add3A_217, %add3A_23 : vector<16xi32>
        %gather3A_219 = tpu.vector_load_idx %arg5[%and3A_2, %add3A_218] : memref<8x1024xf32, #tpu.memory_space<vmem>>[vector<16xi32>, vector<16xi32>], vector<16xf32>,
        %gather3A_220 = tpu.vector_load_idx %arg6[%and3A_2, %add3A_218] : memref<8x1024xf32, #tpu.memory_space<vmem>>[vector<16xi32>, vector<16xi32>], vector<16xf32>,
        %add3A_221 = vector.broadcast %mul3A_181 : i32 to vector<16xi32>
        %add3A_222 = arith.addi %add3A_221, %add3A_47 : vector<16xi32>
        tpu.vector_store_idx %arg11[%add3A_222], %gather3A_219 : memref<16384xf32, #tpu.memory_space<vmem>>[vector<16xi32>], vector<16xf32>,
        %add3A_223 = arith.constant 8 : i32
        %add3A_224 = vector.broadcast %add3A_223 : i32 to vector<16xi32>
        %add3A_225 = arith.addi %add3A_222, %add3A_224 : vector<16xi32>
        tpu.vector_store_idx %arg11[%add3A_225], %gather3A_220 : memref<16384xf32, #tpu.memory_space<vmem>>[vector<16xi32>], vector<16xf32>,
        %add3A_226 = vector.broadcast %mul3A_179 : i32 to vector<16xi32>
        %add3A_227 = arith.addi %add3A_226, %add3A_26 : vector<16xi32>
        %gather3A_228 = tpu.vector_load_idx %arg5[%and3A_2, %add3A_227] : memref<8x1024xf32, #tpu.memory_space<vmem>>[vector<16xi32>, vector<16xi32>], vector<16xf32>,
        %gather3A_229 = tpu.vector_load_idx %arg6[%and3A_2, %add3A_227] : memref<8x1024xf32, #tpu.memory_space<vmem>>[vector<16xi32>, vector<16xi32>], vector<16xf32>,
        %add3A_230 = vector.broadcast %mul3A_181 : i32 to vector<16xi32>
        %add3A_231 = arith.addi %add3A_230, %add3A_50 : vector<16xi32>
        tpu.vector_store_idx %arg11[%add3A_231], %gather3A_228 : memref<16384xf32, #tpu.memory_space<vmem>>[vector<16xi32>], vector<16xf32>,
        %add3A_232 = arith.constant 8 : i32
        %add3A_233 = vector.broadcast %add3A_232 : i32 to vector<16xi32>
        %add3A_234 = arith.addi %add3A_231, %add3A_233 : vector<16xi32>
        tpu.vector_store_idx %arg11[%add3A_234], %gather3A_229 : memref<16384xf32, #tpu.memory_space<vmem>>[vector<16xi32>], vector<16xf32>,
        %add3A_235 = vector.broadcast %mul3A_179 : i32 to vector<16xi32>
        %add3A_236 = arith.addi %add3A_235, %add3A_29 : vector<16xi32>
        %gather3A_237 = tpu.vector_load_idx %arg5[%and3A_2, %add3A_236] : memref<8x1024xf32, #tpu.memory_space<vmem>>[vector<16xi32>, vector<16xi32>], vector<16xf32>,
        %gather3A_238 = tpu.vector_load_idx %arg6[%and3A_2, %add3A_236] : memref<8x1024xf32, #tpu.memory_space<vmem>>[vector<16xi32>, vector<16xi32>], vector<16xf32>,
        %add3A_239 = vector.broadcast %mul3A_181 : i32 to vector<16xi32>
        %add3A_240 = arith.addi %add3A_239, %add3A_53 : vector<16xi32>
        tpu.vector_store_idx %arg11[%add3A_240], %gather3A_237 : memref<16384xf32, #tpu.memory_space<vmem>>[vector<16xi32>], vector<16xf32>,
        %add3A_241 = arith.constant 8 : i32
        %add3A_242 = vector.broadcast %add3A_241 : i32 to vector<16xi32>
        %add3A_243 = arith.addi %add3A_240, %add3A_242 : vector<16xi32>
        tpu.vector_store_idx %arg11[%add3A_243], %gather3A_238 : memref<16384xf32, #tpu.memory_space<vmem>>[vector<16xi32>], vector<16xf32>,
        %add3A_244 = vector.broadcast %mul3A_179 : i32 to vector<16xi32>
        %add3A_245 = arith.addi %add3A_244, %add3A_32 : vector<16xi32>
        %gather3A_246 = tpu.vector_load_idx %arg5[%and3A_2, %add3A_245] : memref<8x1024xf32, #tpu.memory_space<vmem>>[vector<16xi32>, vector<16xi32>], vector<16xf32>,
        %gather3A_247 = tpu.vector_load_idx %arg6[%and3A_2, %add3A_245] : memref<8x1024xf32, #tpu.memory_space<vmem>>[vector<16xi32>, vector<16xi32>], vector<16xf32>,
        %add3A_248 = vector.broadcast %mul3A_181 : i32 to vector<16xi32>
        %add3A_249 = arith.addi %add3A_248, %add3A_56 : vector<16xi32>
        tpu.vector_store_idx %arg11[%add3A_249], %gather3A_246 : memref<16384xf32, #tpu.memory_space<vmem>>[vector<16xi32>], vector<16xf32>,
        %add3A_250 = arith.constant 8 : i32
        %add3A_251 = vector.broadcast %add3A_250 : i32 to vector<16xi32>
        %add3A_252 = arith.addi %add3A_249, %add3A_251 : vector<16xi32>
        tpu.vector_store_idx %arg11[%add3A_252], %gather3A_247 : memref<16384xf32, #tpu.memory_space<vmem>>[vector<16xi32>], vector<16xf32>,
      }
      %scan3A_176 = arith.constant 32 : i32
      "tpu.region"() ({
        %run_scoped3A_177 = tpu.sem_alloc : memref<!tpu.dma_semaphore, #tpu.memory_space<semaphore_mem>>
        %dma_start3A_178 = arith.constant 0 : i32
        %dma_start3A_179 = tpu.memref_slice %arg11[%dma_start3A_178] : memref<16384xf32, #tpu.memory_space<vmem>> -> memref<8192xf32, #tpu.memory_space<vmem>>
        %dma_start3A_180 = arith.constant 15990784 : i32
        %dma_start3A_181 = tpu.memref_slice %arg4[%dma_start3A_180] : memref<16000000xf32, #tpu.memory_space<hbm>> -> memref<8192xf32, #tpu.memory_space<hbm>>
        %dma_start3A_182 = arith.constant 15990784 : i32
        %dma_start3A_183 = tpu.memref_slice %arg4[%dma_start3A_182] : memref<16000000xf32, #tpu.memory_space<hbm>> -> memref<8192xf32, #tpu.memory_space<hbm>>
        %dma_start3A_184 = arith.constant 0 : i32
        %dma_start3A_185 = tpu.memref_slice %arg11[%dma_start3A_184] : memref<16384xf32, #tpu.memory_space<vmem>> -> memref<8192xf32, #tpu.memory_space<vmem>>
        tpu.enqueue_dma source(%dma_start3A_185 : memref<8192xf32, #tpu.memory_space<vmem>>) target(%dma_start3A_183 : memref<8192xf32, #tpu.memory_space<hbm>>) target_semaphore(%run_scoped3A_177 : memref<!tpu.dma_semaphore, #tpu.memory_space<semaphore_mem>>)
        %dma_wait3A = arith.constant 0 : i32
        %dma_wait3A_186 = tpu.memref_slice %arg11[%dma_wait3A] : memref<16384xf32, #tpu.memory_space<vmem>> -> memref<8192xf32, #tpu.memory_space<vmem>>
        %dma_wait3A_187 = arith.constant 15990784 : i32
        %dma_wait3A_188 = tpu.memref_slice %arg4[%dma_wait3A_187] : memref<16000000xf32, #tpu.memory_space<hbm>> -> memref<8192xf32, #tpu.memory_space<hbm>>
        %dma_wait3A_189 = arith.constant 15990784 : i32
        %dma_wait3A_190 = tpu.memref_slice %arg4[%dma_wait3A_189] : memref<16000000xf32, #tpu.memory_space<hbm>> -> memref<8192xf32, #tpu.memory_space<hbm>>
        %dma_wait3A_191 = arith.constant 0 : i32
        %dma_wait3A_192 = tpu.memref_slice %arg11[%dma_wait3A_191] : memref<16384xf32, #tpu.memory_space<vmem>> -> memref<8192xf32, #tpu.memory_space<vmem>>
        tpu.wait_dma2 semaphore(%run_scoped3A_177 : memref<!tpu.dma_semaphore, #tpu.memory_space<semaphore_mem>>) src(%dma_wait3A_192 : memref<8192xf32, #tpu.memory_space<vmem>>) dst(%dma_wait3A_190 : memref<8192xf32, #tpu.memory_space<hbm>>)
        tpu.yield
      }) : () -> ()
    } else {
    }
    %eq3A_165 = arith.constant 1 : i32
    %eq3A_166 = arith.cmpi eq, %add3A, %eq3A_165 : i32
    %convert_element_type3A_167 = arith.extui %eq3A_166 : i1 to i32
    %cond3A_168 = arith.constant 0 : i32
    %cond3A_169 = arith.cmpi ne, %convert_element_type3A_167, %cond3A_168 : i32
    scf.if %cond3A_169 {
      "tpu.region"() ({
        %run_scoped3A = tpu.sem_alloc : memref<!tpu.dma_semaphore, #tpu.memory_space<semaphore_mem>>
        tpu.enqueue_dma source(%arg3 : memref<1024xf32, #tpu.memory_space<hbm>>) target(%arg14 : memref<1024xf32, #tpu.memory_space<vmem>>) target_semaphore(%run_scoped3A : memref<!tpu.dma_semaphore, #tpu.memory_space<semaphore_mem>>)
        tpu.wait_dma2 semaphore(%run_scoped3A : memref<!tpu.dma_semaphore, #tpu.memory_space<semaphore_mem>>) src(%arg3 : memref<1024xf32, #tpu.memory_space<hbm>>) dst(%arg14 : memref<1024xf32, #tpu.memory_space<vmem>>)
        tpu.yield
      }) : () -> ()
      "tpu.region"() ({
        %run_scoped3A = tpu.sem_alloc : memref<!tpu.dma_semaphore, #tpu.memory_space<semaphore_mem>>
        %dma_start3A_170 = arith.constant 15998976 : i32
        %dma_start3A_171 = tpu.memref_slice %arg4[%dma_start3A_170] : memref<16000000xf32, #tpu.memory_space<hbm>> -> memref<1024xf32, #tpu.memory_space<hbm>>
        %dma_start3A_172 = arith.constant 15998976 : i32
        %dma_start3A_173 = tpu.memref_slice %arg4[%dma_start3A_172] : memref<16000000xf32, #tpu.memory_space<hbm>> -> memref<1024xf32, #tpu.memory_space<hbm>>
        tpu.enqueue_dma source(%arg14 : memref<1024xf32, #tpu.memory_space<vmem>>) target(%dma_start3A_173 : memref<1024xf32, #tpu.memory_space<hbm>>) target_semaphore(%run_scoped3A : memref<!tpu.dma_semaphore, #tpu.memory_space<semaphore_mem>>)
        %dma_wait3A = arith.constant 15998976 : i32
        %dma_wait3A_174 = tpu.memref_slice %arg4[%dma_wait3A] : memref<16000000xf32, #tpu.memory_space<hbm>> -> memref<1024xf32, #tpu.memory_space<hbm>>
        %dma_wait3A_175 = arith.constant 15998976 : i32
        %dma_wait3A_176 = tpu.memref_slice %arg4[%dma_wait3A_175] : memref<16000000xf32, #tpu.memory_space<hbm>> -> memref<1024xf32, #tpu.memory_space<hbm>>
        tpu.wait_dma2 semaphore(%run_scoped3A : memref<!tpu.dma_semaphore, #tpu.memory_space<semaphore_mem>>) src(%arg14 : memref<1024xf32, #tpu.memory_space<vmem>>) dst(%dma_wait3A_176 : memref<1024xf32, #tpu.memory_space<hbm>>)
        tpu.yield
      }) : () -> ()
    } else {
    }
    return
  }
}

</mosaic_0001>

<sc_bundles>
// kernel: _sctr.3.cloned.1.call-start
scs
__scs_entry_jumppad:
0x0: {  	(pc) =	sbr.rel $0x88, $3  }
0x1: {  	(tag) =	ssettag $0x0;
	lr =	simm.s32 $0x1  }
0x2: {  	[smem:$0x3F9F] =	sst lr;
	_ =	strace $0xD0000000  }
0x3: {  	_ = 	snop  }
0x4: {  	_ = 	snop  }
0x5: {  	_ = 	snop  }
0x6: {  	_ = 	snop  }
0x7: {  	_ = 	snop  }
__scs_overlays_trampoline_lowered:
0x8: {  	[smem:$0x3FAE] =	sst s0  }
0x9: {  	[smem:$0x3FAF] =	sst s1  }
0xa: {  	[smem:$0x3FB0] =	sst s2  }
0xb: {  	[smem:$0x3FB1] =	sst s3  }
0xc: {  	[smem:$0x3FB2] =	sst s4  }
0xd: {  	[smem:$0x3FB3] =	sst s5  }
0xe: {  	[smem:$0x3FB4] =	sst s6  }
0xf: {  	[smem:$0x3FB5] =	sst s7  }
0x10: {  	[smem:$0x3FB6] =	sst s8  }
0x11: {  	[smem:$0x3FB7] =	sst s9;
	s0 =	simm.s32 @!p0 $0x0  }
0x12: {  	s1 =	sld [smem:$0x3F9D];
	s0 =	simm.s32 @p0 $0x1  }
0x13: {  	[smem:$0x3FB8] =	sst s0;
	s0 =	simm.s32 @!p1 $0x0  }
0x14: {  	s2 =	sld [smem:$0x3F9C];
	s0 =	simm.s32 @p1 $0x1  }
0x15: {  	[smem:$0x3FB9] =	sst s0;
	s0 =	simm.s32 @!p2 $0x0  }
0x16: {  	s3 =	sld [smem:$0x3FDB];
	s0 =	simm.s32 @p2 $0x1  }
0x17: {  	s4 =	simm.s32 $0x1BF5;
	[smem:$0x3FBB] =	sst s0  }
0x18: {  	s0 =	sld [smem:$0x3F9E];
	_ =	swait.ge [sflag:s4], $0x0  }
0x19: {  	s7 =	sld [smem:$0x3F9F]  }
0x1a: {  	s8 =	sadd.s32 $0xFFFFE003, lr  }
0x1b: {  	s9 =	sadd.s32 $0xFFFFFEF7, lr;
	s5 =	simm.s32 $0xFFFFFFFF;
	p2 =	slt.u32 s8, $0xFFFFF086  }
0x1c: {  	p1 =	slt.u32 s9, $0xF7A;
	s5 =	simm.s32 @!p2 $0x0  }
0x1d: {  	s5 =	simm.s32 @p1 $0x1;
	p0 =	seq.s32 s7, s2  }
0x1e: {  	s7 =	smul.u32 @!p0 $0xF7A, s2;
	p2 =	seq.s32 @!p0 s5, $0x0  }
0x1f: {  	s9 =	smul.u32 $0xF7A, s1;
	s8 =	simm.s32 @!p0 $0x1BF5;
	p2 =	por !p2, p0  }
0x20: {  	[sflag:s8] =	ssyncset.s32 @!p0 $0xFFFFF086;
	s6 =	sadd.s32 @!p0 s3, s7;
	s7 =	simm.s32 @!p0 $0x108  }
0x21: {  	s3 =	sadd.s32 s3, s9;
	s6 =	sadd.s32 @!p0 $0x88, s6;
	s7 =	simm.s32 @p2 $0x1082  }
0x22: {  	[simem:s7], [sflag:s8] =	dma.local @!p0 [hbm:s6], $0xF7A  }
0x23: {  	s9 =	sor.u32 $0xD0000000, s2;
	s6 =	simm.s32 $0x108;
	_ =	swait.ge @!p0 [sflag:s8], $0x0  }
0x24: {  	s3 =	sadd.s32 $0x88, s3;
	s6 =	simm.s32 @!p1 $0x1082;
	[sflag:s4] =	ssyncset.s32 $0xFFFFF086  }
0x25: {  	[simem:s6], [sflag:s4] =	dma.local [hbm:s3], $0xF7A  }
0x26: {  	[smem:$0x3F9F] =	sst s1;
	(tag) =	ssettag s2;
	_ =	strace s9  }
0x27: {  	s1 =	sld [smem:$0x3FAF]  }
0x28: {  	s2 =	sld [smem:$0x3FB0]  }
0x29: {  	s4 =	sld [smem:$0x3FB2]  }
0x2a: {  	p0 =	seq.s32 s5, $0x0;
	s5 =	sld [smem:$0x3FB3]  }
0x2b: {  	s6 =	sld [smem:$0x3FB4]  }
0x2c: {  	s7 =	sld [smem:$0x3FB5]  }
0x2d: {  	s3 =	simm.s32 $0x108;
	s8 =	sld [smem:$0x3FB6]  }
0x2e: {  	s3 =	simm.s32 @!p0 $0x1082;
	s9 =	sld [smem:$0x3FB7]  }
0x2f: {  	lr =	sadd.s32 s0, s3;
	s0 =	sld [smem:$0x3FAE]  }
0x30: {  	s3 =	sld [smem:$0x3FB1]  }
0x31: {  	[smem:$0x3FBA] =	sst s10  }
0x32: {  	s10 =	sld [smem:$0x3FB8];
	_ =	sdelay $0x3  }
0x33: {  	p0 =	seq.s32 s10, $0x1;
	s10 =	sld [smem:$0x3FBA];
	_ =	sdelay $0x3  }
0x34: {  	[smem:$0x3FBA] =	sst s10  }
0x35: {  	s10 =	sld [smem:$0x3FB9];
	_ =	sdelay $0x3  }
0x36: {  	p1 =	seq.s32 s10, $0x1;
	s10 =	sld [smem:$0x3FBA];
	_ =	sdelay $0x3  }
0x37: {  	[smem:$0x3FBA] =	sst s10  }
0x38: {  	s10 =	sld [smem:$0x3FBB]  }
0x39: {  	_ = 	snop;
	(pc) =	sbr.ind lr, $3  }
0x3a: {  	_ = 	snop  }
0x3b: {  	_ = 	snop  }
0x3c: {  	p2 =	seq.s32 s10, $0x1;
	s10 =	sld [smem:$0x3FBA]  }
0x3d: {  	_ =	shalt  }
0x3e: {  	_ =	shalt  }
0x3f: {  	_ =	shalt  }
0x40: {  	_ =	shalt  }
0x41: {  	_ =	shalt  }
0x42: {  	_ =	shalt  }
0x43: {  	_ =	shalt  }
0x44: {  	_ =	shalt  }
0x45: {  	_ =	shalt  }
0x46: {  	_ =	shalt  }
0x47: {  	_ =	shalt  }
0x48: {  	_ =	shalt  }
0x49: {  	_ =	shalt  }
0x4a: {  	_ =	shalt  }
0x4b: {  	_ =	shalt  }
0x4c: {  	_ =	shalt  }
0x4d: {  	_ =	shalt  }
0x4e: {  	_ =	shalt  }
0x4f: {  	_ =	shalt  }
0x50: {  	_ =	shalt  }
0x51: {  	_ =	shalt  }
0x52: {  	_ =	shalt  }
0x53: {  	_ =	shalt  }
0x54: {  	_ =	shalt  }
0x55: {  	_ =	shalt  }
0x56: {  	_ =	shalt  }
0x57: {  	_ =	shalt  }
0x58: {  	_ =	shalt  }
0x59: {  	_ =	shalt  }
0x5a: {  	_ =	shalt  }
0x5b: {  	_ =	shalt  }
0x5c: {  	_ =	shalt  }
0x5d: {  	_ =	shalt  }
0x5e: {  	_ =	shalt  }
0x5f: {  	_ =	shalt  }
0x60: {  	_ =	shalt  }
0x61: {  	_ =	shalt  }
0x62: {  	_ =	shalt  }
0x63: {  	_ =	shalt  }
0x64: {  	_ =	shalt  }
0x65: {  	_ =	shalt  }
0x66: {  	_ =	shalt  }
0x67: {  	_ =	shalt  }
0x68: {  	_ =	shalt  }
0x69: {  	_ =	shalt  }
0x6a: {  	_ =	shalt  }
0x6b: {  	_ =	shalt  }
0x6c: {  	_ =	shalt  }
0x6d: {  	_ =	shalt  }
0x6e: {  	_ =	shalt  }
0x6f: {  	_ =	shalt  }
0x70: {  	_ =	shalt  }
0x71: {  	_ =	shalt  }
0x72: {  	_ =	shalt  }
0x73: {  	_ =	shalt  }
0x74: {  	_ =	shalt  }
0x75: {  	_ =	shalt  }
0x76: {  	_ =	shalt  }
0x77: {  	_ =	shalt  }
0x78: {  	_ =	shalt  }
0x79: {  	_ =	shalt  }
0x7a: {  	_ =	shalt  }
0x7b: {  	_ =	shalt  }
0x7c: {  	_ =	shalt  }
0x7d: {  	_ =	shalt  }
0x7e: {  	_ =	shalt  }
0x7f: {  	_ =	shalt  }
0x80: {  	_ =	shalt  }
0x81: {  	_ =	shalt  }
0x82: {  	_ =	shalt  }
0x83: {  	_ =	shalt  }
0x84: {  	_ =	shalt  }
0x85: {  	_ =	shalt  }
0x86: {  	_ =	shalt  }
0x87: {  	_ =	shalt  }
.Lfunc_end0:
.L_simem_size_0:
called_computation_lowered:
.L_overlay_start_0:
0x88: {  	s2 =	sld [smem:$0x3FD9]  }
0x89: {  	s3 =	sld [smem:$0x3FFE];
	_ =	sdelay $0x1  }
0x8a: {  	s1 =	srdreg.scid  }
0x8b: {  	s0 =	sand.u32 $0x1, s1  }
0x8c: {  	s18 =	sshll.u32 s0, $0xA;
	s2 =	sadd.s32 s3, s2  }
0x8d: {  	s2 =	sadd.s32 s2, s18  }
0x8e: {  	[smem:$0x3FC6] =	sst s2  }
0x8f: {  	_ = 	snop  }
0x90: {  	s2 =	sld [smem:$0x3FC9]  }
0x91: {  	s19 =	sld [smem:$0x3FC8]  }
0x92: {  	s4 =	sld [smem:$0x3FD0];
	(tm) =	ssettm $0x1  }
0x93: {  	s5 =	sld [smem:$0x3FFB];
	_ =	sdelay $0x3  }
0x94: {  	_ =	strace s5  }
0x95: {  	s5 =	sld [smem:$0x3FFC];
	_ =	sdelay $0x3  }
0x96: {  	_ =	strace s5  }
0x97: {  	s5 =	sld [smem:$0x3FFD];
	_ =	sdelay $0x3  }
0x98: {  	_ =	strace s5  }
0x99: {  	_ =	strace $0x8FFFFFFF  }
0x9a: {  	s20 =	sld [smem:$0x3FDB];
	_ =	sdelay $0x1  }
0x9b: {  	s6 =	simm.s32 $_scs_section_size  }
0x9c: {  	s7 =	simm.s32 $_size__tile_overlayer_lowered;
	s8 =	simm.s32 $_tile_overlayer_lowered  }
0x9d: {  	s23 =	simm.s32 $0x1BFF;
	s22 =	sshll.u32 s8, $0x1;
	s5 =	sadd.s32 s6, s20  }
0x9e: {  	s9 =	simm.s32 $0x0;
	s21 =	sshll.u32 s7, $0x1;
	s7 =	sadd.s32 s22, s5  }
0x9f: {  	[timem:s9], [sflag:s23] =	dma.local [hbm:s7], s21  }
0xa0: {  	_ =	swait.ge [sflag:s23], s21  }
0xa1: {  	s6 =	ssub.s32 $0x0, s21;
	[sflag:s23] =	ssyncset.done $0x0  }
0xa2: {  	[sflag:s23] =	ssyncadd.s32 s6;
	_ =	sdelay $0x1  }
0xa3: {  	s24 =	simm.s32 $0x1B8B  }
0xa4: {  	_ =	swait.ge [sflag:s24], $0x1  }
0xa5: {  	[sflag:s24] =	ssyncset.done $0x0  }
0xa6: {  	s25 =	simm.s32 $0x1B8E;
	[sflag:s24] =	ssyncadd.s32 $0xFFFFFFFF  }
0xa7: {  	s26 =	simm.s32 $execute0_lowered;
	[smem:$0x3FD2] =	sst s25  }
0xa8: {  	s6 =	sshll.u32 s26, $0x1;
	_ =	strace $0x80000046;
	[dreg:$0x1] =	wrdreg $0xFFFFFFFF  }
0xa9: {  	s28 =	simm.s32 $_size_execute0_lowered;
	s5 =	sadd.s32 s5, s6;
	[dreg:$0x0] =	wrdreg $0x0  }
0xaa: {  	s6 =	sshll.u32 s28, $0x1;
	[dreg:$0x2] =	wrdreg s5  }
0xab: {  	[dreg:$0x3] =	wrdreg s6  }
0xac: {  	[dreg:$0x4] =	wrdreg $0xC0  }
0xad: {  	_ =	task [dreg:s9], $0x5FFFF  }
0xae: {  	[dreg:$0x1] =	wrdreg $0xFFFFFFFF  }
0xaf: {  	[dreg:$0x0] =	wrdreg $0x60  }
0xb0: {  	[dreg:$0x2] =	wrdreg s2  }
0xb1: {  	[dreg:$0x3] =	wrdreg s19  }
0xb2: {  	[dreg:$0x4] =	wrdreg s4  }
0xb3: {  	[dreg:$0x5] =	wrdreg $0x9  }
0xb4: {  	_ =	task.clear_ibuf [dreg:s9], $0x6FFFF;
	_ =	strace $0x90000046  }
0xb5: {  	s29 =	simm.s32 $0x9;
	_ =	strace $0x80000048  }
0xb6: {  	_ =	swait.ge [sflag:s29], $0x1  }
0xb7: {  	[sflag:s29] =	ssyncadd.s32 $0xFFFFFFFF  }
0xb8: {  	_ =	strace $0x90000048  }
0xb9: {  	_ =	sfence  }
0xba: {  	s30 =	sld [smem:$0x0];
	_ =	sdelay $0x2  }
0xbb: {  	s31 =	sshll.u32 s1, $0xD;
	s1 =	sshrl.u32 s1, $0x2  }
0xbc: {  	s3 =	sand.u32 $0x4000, s31;
	s1 =	sadd.s32 s1, s30  }
0xbd: {  	s0 =	sor.u32 s3, s0;
	s1 =	sshll.u32 s1, $0x11  }
0xbe: {  	s0 =	sor.u32 s1, s0  }
0xbf: {  	s0 =	sadd.s32 $0x8F2B, s0  }
0xc0: {  	[sflag:s0] =	ssyncadd.remote.s32 $0x1  }
0xc1: {  	_ =	sfence.sel $0xFFFF  }
0xc2: {  	[dreg:$0x0] =	wrdreg $0xFFFFFFFF;
	(pc) =	sbr.abs _section_cstart, $3  }
0xc3: {  	[dreg:$0x1] =	wrdreg $0xFFFFFFFF  }
0xc4: {  	_ =	task.clear_ibuf [dreg:s9], $0x2FFFF;
	_ =	strace $0x9FFFFFFF  }
0xc5: {  	(tm) =	ssettm $0x7FFFFFFF  }
tec
execute0_lowered:
.L_overlay_start_1:
0x0: {  	(tag) =	ssettag $0x1  }
0x1: {  	v1 =	vlaneseq.u32  }
0x2: {  	v2 =	vimm.s32 $0x13121110;
	v3 =	vimm.s32 $0x17161514;
	v4 =	vimm.s32 $0x76543210  }
0x3: {  	vm0 =	vcmask $0x1F10;
	v5 =	vimm.s32 $0xFEDCBA98;
	v6 =	vimm.s32 $0x1B1A1918  }
0x4: {  	v7 =	vimm.s32 $0x1F1E1D1C;
	v8 =	vimm.s32 $0x3B3A3938;
	v10 =	vimm.s32 $0x2B2A2928  }
0x5: {  	v11 =	vimm.s32 $0x2F2E2D2C;
	v13 =	vimm.s32 $0x5F5E5D5C;
	v14 =	vimm.s32 $0x77767574  }
0x6: {  	v15 =	vimm.s32 $0x63626160;
	v16 =	vimm.s32 $0x67666564;
	v17 =	vimm.s32 $0x83828180  }
0x7: {  	v18 =	vimm.s32 $0x87868584;
	v22 =	vimm.s32 $0xBFBEBDBC;
	v24 =	vimm.s32 $0xC3C2C1C0  }
0x8: {  	v25 =	vimm.s32 $0xC7C6C5C4;
	v26 =	vimm.s32 $0xE7E6E5E4;
	v27 =	vimm.s32 $0xFBFAF9F8  }
0x9: {  	v28 =	vimm.s32 $0xFFFEFDFC;
	v29 =	vimm.s32 $0xEBEAE9E8;
	v30 =	vimm.s32 $0xEFEEEDEC  }
0xa: {  	v0 =	vshrl.u32 v1, $0x3;
	v2 =	vunpack.c.0.s8.s32 v2;
	v3 =	vunpack.c.0.s8.s32 v3  }
0xb: {  	v4 =	vunpack.c.l.s4.s8 v4;
	v5 =	vunpack.c.l.s4.s8 v5;
	v6 =	vunpack.c.0.s8.s32 v6  }
0xc: {  	v7 =	vunpack.c.0.s8.s32 v7;
	v1 =	vand.u32 $0x7, v1;
	v8 =	vunpack.c.0.s8.s32 v8  }
0xd: {  	v10 =	vunpack.c.0.s8.s32 v10;
	v11 =	vunpack.c.0.s8.s32 v11;
	v4 =	vunpack.c.0.s8.s32 v4  }
0xe: {  	v2 =	vsel vm0, v3, v2;
	v3 =	vunpack.c.0.s8.s32 v5;
	v5 =	vimm.s32 $0x33323130  }
0xf: {  	v13 =	vunpack.c.0.s8.s32 v13;
	v5 =	vunpack.c.0.s8.s32 v5;
	v2 =	vcombine.low v4, v2  }
0x10: {  	v4 =	vsel vm0, v7, v6;
	v3 =	vand.u32 $0xF, v3;
	v6 =	vimm.s32 $0x37363534  }
0x11: {  	v7 =	vimm.s32 $0x27262524;
	v3 =	vcombine.low v3, v4;
	v4 =	vimm.s32 $0x23222120  }
0x12: {  	v6 =	vunpack.c.0.s8.s32 v6;
	v7 =	vunpack.c.0.s8.s32 v7;
	v9 =	vunpack.c.0.s8.s32 v4  }
0x13: {  	v14 =	vunpack.c.0.s8.s32 v14;
	v17 =	vunpack.c.0.s8.s32 v17;
	v4 =	vimm.s32 $0x3F3E3D3C  }
0x14: {  	v12 =	vunpack.c.0.s8.s32 v4;
	v5 =	vsel vm0, v6, v5;
	v6 =	vsel vm0, v7, v9  }
0x15: {  	v7 =	vsel vm0, v11, v10;
	v9 =	vimm.s32 $0x57565554;
	v10 =	vimm.s32 $0x43424140  }
0x16: {  	v11 =	vimm.s32 $0x47464544;
	v5 =	vcombine.low v6, v5;
	v6 =	vsel vm0, v12, v8  }
0x17: {  	v8 =	vimm.s32 $0x53525150;
	v9 =	vunpack.c.0.s8.s32 v9;
	v10 =	vunpack.c.0.s8.s32 v10  }
0x18: {  	v12 =	vimm.s32 $0x5B5A5958;
	v11 =	vunpack.c.0.s8.s32 v11;
	v8 =	vunpack.c.0.s8.s32 v8  }
0x19: {  	v18 =	vunpack.c.0.s8.s32 v18;
	v22 =	vunpack.c.0.s8.s32 v22;
	v12 =	vunpack.c.0.s8.s32 v12  }
0x1a: {  	v26 =	vunpack.c.0.s8.s32 v26;
	v8 =	vsel vm0, v9, v8;
	v9 =	vsel vm0, v11, v10  }
0x1b: {  	v10 =	vsel vm0, v13, v12;
	v11 =	vimm.s32 $0x4B4A4948;
	v12 =	vimm.s32 $0x4F4E4D4C  }
0x1c: {  	v13 =	vimm.s32 $0x73727170;
	v11 =	vunpack.c.0.s8.s32 v11;
	v12 =	vunpack.c.0.s8.s32 v12  }
0x1d: {  	v27 =	vunpack.c.0.s8.s32 v27;
	v28 =	vunpack.c.0.s8.s32 v28;
	v13 =	vunpack.c.0.s8.s32 v13  }
0x1e: {  	v11 =	vsel vm0, v12, v11;
	v12 =	vunpack.c.0.s8.s32 v15;
	v15 =	vunpack.c.0.s8.s32 v16  }
0x1f: {  	v8 =	vcombine.low v9, v8;
	v16 =	vimm.s32 $0x97969594;
	v9 =	vcombine.low v11, v10  }
0x20: {  	v10 =	vsel vm0, v14, v13;
	v13 =	vimm.s32 $0x7F7E7D7C;
	v11 =	vsel vm0, v15, v12  }
0x21: {  	v14 =	vimm.s32 $0x6F6E6D6C;
	v12 =	vimm.s32 $0x7B7A7978;
	v10 =	vcombine.low v11, v10  }
0x22: {  	v11 =	vunpack.c.0.s8.s32 v12;
	v12 =	vunpack.c.0.s8.s32 v13;
	v13 =	vimm.s32 $0x6B6A6968  }
0x23: {  	v15 =	vimm.s32 $0x93929190;
	v14 =	vunpack.c.0.s8.s32 v14;
	v13 =	vunpack.c.0.s8.s32 v13  }
0x24: {  	v29 =	vunpack.c.0.s8.s32 v29;
	v16 =	vunpack.c.0.s8.s32 v16;
	v15 =	vunpack.c.0.s8.s32 v15  }
0x25: {  	v12 =	vsel vm0, v12, v11;
	v11 =	vimm.s32 $0x9B9A9998;
	v13 =	vsel vm0, v14, v13  }
0x26: {  	v14 =	vsel vm0, v16, v15;
	v15 =	vsel vm0, v18, v17;
	v16 =	vunpack.c.0.s8.s32 v11  }
0x27: {  	v11 =	vimm.s32 $0x9F9E9D9C;
	v17 =	vimm.s32 $0x8B8A8988;
	v18 =	vimm.s32 $0x8F8E8D8C  }
0x28: {  	v19 =	vunpack.c.0.s8.s32 v11;
	v17 =	vunpack.c.0.s8.s32 v17;
	v18 =	vunpack.c.0.s8.s32 v18  }
0x29: {  	v30 =	vunpack.c.0.s8.s32 v30;
	v1 =	vmul.u32 $0x80, v1;
	v4 =	vor.u32 $0x2, v0  }
0x2a: {  	v6 =	vcombine.low v7, v6;
	v16 =	vsel vm0, v19, v16;
	v17 =	vsel vm0, v18, v17  }
0x2b: {  	s0 =	rddreg [dreg:$0x0];
	v7 =	vor.u32 $0x4, v0;
	v16 =	vcombine.low v17, v16;
	v17 =	vimm.s32 $0xB3B2B1B0  }
0x2c: {  	s3 =	rddreg [dreg:$0x2];
	s1 =	srdreg.scid;
	v11 =	vor.u32 $0x6, v0;
	v18 =	vunpack.c.0.s8.s32 v17;
	v17 =	vimm.s32 $0xB7B6B5B4  }
0x2d: {  	s5 =	simm.s32 $0x0;
	s7 =	stileid.u32;
	s28 =	simm.s32 $0x6000;
	v19 =	vimm.s32 $0xA3A2A1A0;
	v20 =	vunpack.c.0.s8.s32 v17;
	v17 =	vimm.s32 $0xA7A6A5A4  }
0x2e: {  	s29 =	simm.s32 $0x8000;
	s30 =	simm.s32 $0xA000;
	s31 =	simm.s32 $0x1;
	v19 =	vunpack.c.0.s8.s32 v19;
	v21 =	vunpack.c.0.s8.s32 v17;
	v17 =	vimm.s32 $0xBBBAB9B8  }
0x2f: {  	s14 =	simm.s32 $0x3;
	s15 =	simm.s32 $0x14000;
	[smem:$0x7FF] =	sst s5;
	v23 =	vunpack.c.0.s8.s32 v17;
	v18 =	vsel vm0, v20, v18;
	v20 =	vimm.s32 $0xABAAA9A8  }
0x30: {  	s6 =	sshll.u32 s7, $0x1;
	p0 =	slt.u32 s7, $0x8;
	s7 =	simm.s32 $0x1F;
	v12 =	vcombine.low v13, v12;
	v19 =	vsel vm0, v21, v19;
	v20 =	vunpack.c.0.s8.s32 v20  }
0x31: {  	s10 =	sadd.s32 $0xF4280, s0;
	s20 =	sadd.s32 $0x1E8400, s3;
	s22 =	sadd.s32 $0xF4000, s0;
	v21 =	vimm.s32 $0xAFAEADAC;
	v18 =	vcombine.low v19, v18;
	v19 =	vsel vm0, v22, v23  }
0x32: {  	s1 =	sand.u32 $0x1, s1;
	_ =	strace $0x80000047;
	[dreg:$0x8] =	wrdreg s20;
	v22 =	vimm.s32 $0xD3D2D1D0;
	v21 =	vunpack.c.0.s8.s32 v21;
	v23 =	vimm.s32 $0xD7D6D5D4  }
0x33: {  	s23 =	sadd.s32 $0x1E8280, s0;
	s25 =	sadd.s32 $0x1E8000, s3;
	[dreg:$0x9] =	wrdreg s22;
	v13 =	vcombine.low v15, v14;
	v22 =	vunpack.c.0.s8.s32 v22;
	v23 =	vunpack.c.0.s8.s32 v23  }
0x34: {  	s2 =	ssub.s32 $0x2, s1;
	s6 =	sor.u32 s1, s6;
	[dreg:$0xa] =	wrdreg s23;
	v20 =	vsel vm0, v21, v20;
	v21 =	vunpack.c.0.s8.s32 v24;
	v24 =	vunpack.c.0.s8.s32 v25  }
0x35: {  	s7 =	simm.s32 @!p0 $0x1E;
	[dreg:$0xd] =	wrdreg s25;
	s22 =	simm.s32 $0x5;
	v25 =	vcombine.low v20, v19;
	v19 =	vsel vm0, v23, v22;
	v20 =	vimm.s32 $0xDBDAD9D8  }
0x36: {  	s23 =	simm.s32 $0x6;
	s25 =	simm.s32 $0x2000;
	s20 =	simm.s32 $0x0;
	v22 =	vimm.s32 $0xDFDEDDDC;
	v23 =	vimm.s32 $0xCBCAC9C8;
	v21 =	vsel vm0, v24, v21  }
0x37: {  	s4 =	sshrl.u32 s2, $0x1;
	s8 =	sshll.u32 s6, $0xA;
	s21 =	sshll.u32 s6, $0xB;
	v20 =	vunpack.c.0.s8.s32 v20;
	v22 =	vunpack.c.0.s8.s32 v22;
	v24 =	vimm.s32 $0xCFCECDCC  }
0x38: {  	s22 =	simm.s32 @!p0 $0x4;
	s23 =	simm.s32 @!p0 $0x5;
	s16 =	sadd.s32 s0, s8;
	v19 =	vcombine.low v21, v19;
	v21 =	vunpack.c.0.s8.s32 v23;
	v23 =	vunpack.c.0.s8.s32 v24  }
0x39: {  	s17 =	sadd.s32 s8, s10;
	s18 =	sor.u32 $0x8000, s8;
	[dreg:$0x4] =	wrdreg s16;
	v14 =	vor.u32 $0x8, v0;
	v15 =	vand.u32 $0xFF, v13;
	v24 =	vimm.s32 $0xF7F6F5F4  }
0x3a: {  	p1 =	sne.s32 s6, $0x0;
	[dreg:$0x5] =	wrdreg s17;
	s9 =	sadd.s32 s0, s18;
	v20 =	vsel vm0, v22, v20;
	v22 =	vimm.s32 $0xF3F2F1F0;
	v21 =	vsel vm0, v23, v21  }
0x3b: {  	s19 =	sor.u32 $0x10000, s8;
	s1 =	sadd.s32 s18, s10;
	[dreg:$0x6] =	wrdreg s9;
	v22 =	vunpack.c.0.s8.s32 v22;
	v23 =	vunpack.c.0.s8.s32 v24;
	v24 =	vimm.s32 $0xE3E2E1E0  }
0x3c: {  	s2 =	ssub.s32 s2, s4;
	s24 =	sadd.s32 s0, s19;
	[dreg:$0x7] =	wrdreg s1;
	v16 =	vand.u32 $0xFF, v16;
	v17 =	vor.u32 $0xA, v0;
	v24 =	vunpack.c.0.s8.s32 v24  }
.Ltmp0:
0x3d: {  	s4 =	sadd.s32 s19, s10;
	[dreg:$0xb] =	wrdreg s24;
	v31 =	vcombine.low v21, v20;
	v20 =	vand.u32 $0xFF, v18;
	v22 =	vsel vm0, v23, v22;
	(pc) =	sbr.rel .LBB2_1-.Ltmp0, $4  }
0x3e: {  	s19 =	sadd.s32 s3, s21;
	s26 =	smax.u32 s2, $0x1;
	[dreg:$0xc] =	wrdreg s4;
	v23 =	vsel vm0, v26, v24;
	v24 =	vsel vm0, v28, v27;
	v26 =	vsel vm0, v30, v29  }
0x3f: {  	s2 =	simm.s32 $0xC000;
	s16 =	simm.s32 $0x7;
	[dreg:$0xe] =	wrdreg s26;
	v21 =	vand.u32 $0xFF, v25;
	v22 =	vcombine.low v23, v22;
	v28 =	vcombine.low v26, v24  }
0x40: {  	s24 =	simm.s32 $0x4;
	s26 =	simm.s32 $0x4000;
	s4 =	simm.s32 $0x2;
	v25 =	vand.u32 $0xFF, v31;
	v23 =	vor.u32 $0xC, v0;
	v24 =	vand.u32 $0xFF, v19  }
0x41: {  	s1 =	simm.s32 $0x10000;
	s24 =	simm.s32 @!p0 $0x6;
	p0 =	seq.s32 s6, $0x1;
	v26 =	vor.u32 $0xE, v0;
	v27 =	vand.u32 $0xFF, v22;
	v28 =	vand.u32 $0xFF, v28  }
.LBB2_20:
0x42: {  	s9 =	rddreg [dreg:$0x1];
	s11 =	simm.s32 $0x18000  }
0x43: {  	[tilespmem:s11], [sflag:$0x7] =	stream.linear.gather [hbm4b:s9+s5], $0x400, $0x38;
	[tilespmem:$0x18400] =	vst v63  }
0x44: {  	_ =	swait.ge [sflag:s16], $0x400  }
0x45: {  	[sflag:s16] =	ssyncset.done $0x0  }
0x46: {  	s21 =	rddreg [dreg:$0x8];
	[sflag:s16] =	ssyncadd.s32 $0xFFFFFC00  }
0x47: {  	[hbm4b:s21+s5] =	stream.linear.scatter [tilespmem:s11], [sflag:$0x7], $0x400, $0x38;
	[tilespmem:$0x18400] =	vst v63  }
0x48: {  	_ =	swait.ge [sflag:s16], $0x400  }
0x49: {  	[sflag:s16] =	ssyncset.done $0x0  }
0x4a: {  	[sflag:s16] =	ssyncadd.s32 $0xFFFFFC00  }
.LBB2_21:
0x4b: {  	s20 =	sadd.s32 $0x1, s20;
	s9 =	rddreg [dreg:$0xe]  }
0x4c: {  	p2 =	sne.s32 s20, s9  }
.Ltmp1:
0x4d: {  	_ = 	snop;
	(pc) =	sbr.rel @!p2 .LBB2_22-.Ltmp1, $1  }
0x4e: {  	_ =	sdelay $0x3  }
.LBB2_1:
0x4f: {  	s9 =	rddreg [dreg:$0x4]  }
0x50: {  	[tilespmem:s5], [sflag:$0x1] =	stream.linear.gather [hbm4b:s9+s5], $0x2000, $0x38;
	[tilespmem:$0x18400] =	vst v63  }
0x51: {  	s12 =	rddreg [dreg:$0x5]  }
0x52: {  	[tilespmem:s25], [sflag:$0x1] =	stream.linear.gather [hbm4b:s12+s5], $0x2000, $0x38;
	[tilespmem:$0x18400] =	vst v63  }
0x53: {  	s13 =	rddreg [dreg:$0x6]  }
0x54: {  	[tilespmem:s26], [sflag:$0x2] =	stream.linear.gather [hbm4b:s13+s5], $0x2000, $0x38;
	[tilespmem:$0x18400] =	vst v63  }
0x55: {  	s17 =	rddreg [dreg:$0x7]  }
0x56: {  	[tilespmem:s28], [sflag:$0x2] =	stream.linear.gather [hbm4b:s17+s5], $0x2000, $0x38;
	[tilespmem:$0x18400] =	vst v63  }
.Ltmp2:
0x57: {  	_ = 	snop;
	(pc) =	sbr.rel .LBB2_2-.Ltmp2, $4  }
0x58: {  	s18 =	rddreg [dreg:$0xb]  }
0x59: {  	[tilespmem:s29], [sflag:$0x3] =	stream.linear.gather [hbm4b:s18+s5], $0x2000, $0x38;
	[tilespmem:$0x18400] =	vst v63  }
0x5a: {  	s21 =	rddreg [dreg:$0xc];
	s9 =	simm.s32 $0x0  }
0x5b: {  	[tilespmem:s30], [sflag:$0x3] =	stream.linear.gather [hbm4b:s21+s5], $0x2000, $0x38;
	[tilespmem:$0x18400] =	vst v63  }
.LBB2_14:
0x5c: {  	s9 =	sadd.s32 $0x1, s9  }
0x5d: {  	p2 =	sne.s32 s9, $0xB  }
.Ltmp3:
0x5e: {  	_ = 	snop;
	(pc) =	sbr.rel @!p2 .LBB2_15-.Ltmp3, $1  }
0x5f: {  	_ =	sdelay $0x3  }
.LBB2_2:
0x60: {  	s11 =	smul.u32 $0x3, s9;
	_ =	sdelay $0x1  }
0x61: {  	p2 =	sge.u32 s11, s7  }
.Ltmp4:
0x62: {  	_ = 	snop;
	(pc) =	sbr.rel @p2 .LBB2_6-.Ltmp4, $1  }
0x63: {  	_ =	sdelay $0x3  }
0x64: {  	s12 =	simm.s32 $0x0  }
0x65: {  	_ =	swait.ge [sflag:s31], $0x2000;
	v29 =	vmov s12  }
0x66: {  	[sflag:s31] =	ssyncset.done $0x0;
	v29 =	vshll.u32 v29, $0x3  }
0x67: {  	v30 =	vor.u32 s12, v0;
	[sflag:s31] =	ssyncadd.s32 $0xFFFFE000;
	v29 =	vand.u32 $0x1C00, v29  }
0x68: {  	v30 =	vand.u32 $0x71, v30;
	_ =	swait.ge [sflag:s31], $0x2000;
	v29 =	vor.u32 v1, v29  }
0x69: {  	p2 =	seq.s32 s9, $0x0;
	[sflag:s31] =	ssyncset.done $0x0;
	v30 =	vor.u32 v30, v29  }
0x6a: {  	s13 =	simm.s32 @!p2 $0x4;
	[sflag:s31] =	ssyncadd.s32 $0xFFFFE000  }
0x6b: {  	_ =	swait.ge @!p2 [sflag:s13], $0x4000  }
0x6c: {  	[sflag:s13] =	ssyncset.done @!p2 $0x0  }
0x6d: {  	[sflag:s13] =	ssyncadd.s32 @!p2 $0xFFFFC000  }
0x6e: {  	v32 =	vor.u32 s12, v2;
	v33 =	vor.u32 s12, v4;
	v31 =	vld.idx.msk [tilespmem:v30+s5+$0x0], $0xffff  }
0x6f: {  	v34 =	vor.u32 s12, v3;
	v33 =	vand.u32 $0x73, v33;
	v30 =	vld.idx.msk [tilespmem:v30+s25+$0x0], $0xffff  }
0x70: {  	v33 =	vor.u32 v33, v29;
	_ =	sdelay $0x2  }
0x71: {  	[tilespmem:v32+s2+$0x0] =	vst.idx.msk $0xffff, v31  }
0x72: {  	[tilespmem:v34+s2+$0x0] =	vst.idx.msk $0xffff, v30  }
0x73: {  	v50 =	vor.u32 s12, v7;
	v31 =	vor.u32 s12, v5;
	v30 =	vld.idx.msk [tilespmem:v33+s5+$0x0], $0xffff  }
0x74: {  	v51 =	vor.u32 s12, v6;
	v32 =	vand.u32 $0x75, v50;
	v33 =	vld.idx.msk [tilespmem:v33+s25+$0x0], $0xffff  }
0x75: {  	v32 =	vor.u32 v32, v29;
	_ =	sdelay $0x2  }
0x76: {  	[tilespmem:v31+s2+$0x0] =	vst.idx.msk $0xffff, v30  }
0x77: {  	[tilespmem:v51+s2+$0x0] =	vst.idx.msk $0xffff, v33  }
0x78: {  	v52 =	vor.u32 s12, v11;
	v31 =	vor.u32 s12, v8;
	v30 =	vld.idx.msk [tilespmem:v32+s5+$0x0], $0xffff  }
0x79: {  	v53 =	vor.u32 s12, v9;
	v33 =	vand.u32 $0x77, v52;
	v32 =	vld.idx.msk [tilespmem:v32+s25+$0x0], $0xffff  }
0x7a: {  	v33 =	vor.u32 v33, v29;
	_ =	sdelay $0x2  }
0x7b: {  	[tilespmem:v31+s2+$0x0] =	vst.idx.msk $0xffff, v30  }
0x7c: {  	[tilespmem:v53+s2+$0x0] =	vst.idx.msk $0xffff, v32  }
0x7d: {  	v54 =	vor.u32 s12, v14;
	v31 =	vor.u32 s12, v10;
	v30 =	vld.idx.msk [tilespmem:v33+s5+$0x0], $0xffff  }
0x7e: {  	v55 =	vor.u32 s12, v12;
	v32 =	vand.u32 $0x79, v54;
	v33 =	vld.idx.msk [tilespmem:v33+s25+$0x0], $0xffff  }
0x7f: {  	v32 =	vor.u32 v32, v29;
	_ =	sdelay $0x2  }
0x80: {  	[tilespmem:v31+s2+$0x0] =	vst.idx.msk $0xffff, v30  }
0x81: {  	v30 =	vor.u32 s12, v15;
	[tilespmem:v55+s2+$0x0] =	vst.idx.msk $0xffff, v33  }
0x82: {  	v56 =	vor.u32 s12, v17;
	v30 =	vand.u32 v13, v30;
	v31 =	vld.idx.msk [tilespmem:v32+s5+$0x0], $0xffff  }
0x83: {  	v57 =	vor.u32 s12, v16;
	v33 =	vand.u32 $0x7B, v56;
	v32 =	vld.idx.msk [tilespmem:v32+s25+$0x0], $0xffff  }
0x84: {  	v33 =	vor.u32 v33, v29;
	_ =	sdelay $0x2  }
0x85: {  	[tilespmem:v30+s2+$0x0] =	vst.idx.msk $0xffff, v31  }
0x86: {  	v30 =	vor.u32 s12, v20;
	[tilespmem:v57+s2+$0x0] =	vst.idx.msk $0xffff, v32  }
0x87: {  	v58 =	vor.u32 s12, v23;
	v30 =	vand.u32 v18, v30;
	v31 =	vld.idx.msk [tilespmem:v33+s5+$0x0], $0xffff  }
0x88: {  	v59 =	vor.u32 s12, v21;
	v32 =	vand.u32 $0x7D, v58;
	v33 =	vld.idx.msk [tilespmem:v33+s25+$0x0], $0xffff  }
0x89: {  	v32 =	vor.u32 v32, v29;
	_ =	sdelay $0x2  }
0x8a: {  	[tilespmem:v30+s2+$0x0] =	vst.idx.msk $0xffff, v31  }
0x8b: {  	v30 =	vor.u32 s12, v24;
	[tilespmem:v59+s2+$0x0] =	vst.idx.msk $0xffff, v33  }
0x8c: {  	v60 =	vor.u32 s12, v26;
	v30 =	vand.u32 v19, v30;
	v31 =	vld.idx.msk [tilespmem:v32+s5+$0x0], $0xffff  }
0x8d: {  	v61 =	vor.u32 s12, v25;
	v33 =	vand.u32 $0x7F, v60;
	v32 =	vld.idx.msk [tilespmem:v32+s25+$0x0], $0xffff  }
0x8e: {  	v29 =	vor.u32 v33, v29;
	_ =	sdelay $0x2  }
0x8f: {  	s17 =	simm.s32 $0x10;
	[tilespmem:v30+s2+$0x0] =	vst.idx.msk $0xffff, v31;
	v30 =	vor.u32 s12, v27  }
0x90: {  	[tilespmem:v61+s2+$0x0] =	vst.idx.msk $0xffff, v32;
	v62 =	vand.u32 v22, v30;
	v30 =	vmov s17  }
0x91: {  	v33 =	vld.idx.msk [tilespmem:v29+s5+$0x0], $0xffff;
	v30 =	vshll.u32 v30, $0x3  }
0x92: {  	v31 =	vor.u32 s17, v0;
	v63 =	vand.u32 $0x1C00, v30  }
0x93: {  	v31 =	vand.u32 $0x71, v31;
	v32 =	vor.u32 s12, v28;
	v30 =	vld.idx.msk [tilespmem:v29+s25+$0x0], $0xffff;
	v29 =	vor.u32 v1, v63  }
0x94: {  	s21 =	smul.u32 $0x60, s9;
	v31 =	vor.u32 v31, v29;
	_ =	sdelay $0x1  }
0x95: {  	s18 =	simm.s32 $0x20;
	s13 =	sor.u32 s6, s21;
	[tilespmem:v62+s2+$0x0] =	vst.idx.msk $0xffff, v33  }
.LBB2_4:
0x96: {  	p2 =	sne.s32 s18, $0x3F0  }
0x97: {  	[tilespmem:v32+s2+$0x0] =	vst.idx.msk $0xffff, v30;
	s12 =	sadd.s32 $0x100, s12;
	s21 =	smov.u32 s18;
	s18 =	sadd.s32 $0x10, s18  }
0x98: {  	v30 =	vld.idx.msk [tilespmem:v31+s5+$0x0], $0xffff  }
0x99: {  	v33 =	vor.u32 s17, v4;
	v32 =	vor.u32 s12, v2;
	v31 =	vld.idx.msk [tilespmem:v31+s25+$0x0], $0xffff  }
0x9a: {  	v34 =	vor.u32 s12, v3;
	v33 =	vand.u32 $0x73, v33  }
0x9b: {  	v33 =	vor.u32 v33, v29;
	_ =	sdelay $0x2  }
0x9c: {  	[tilespmem:v32+s2+$0x0] =	vst.idx.msk $0xffff, v30  }
0x9d: {  	[tilespmem:v34+s2+$0x0] =	vst.idx.msk $0xffff, v31  }
0x9e: {  	v30 =	vld.idx.msk [tilespmem:v33+s5+$0x0], $0xffff  }
0x9f: {  	v32 =	vor.u32 s12, v5;
	v31 =	vld.idx.msk [tilespmem:v33+s25+$0x0], $0xffff;
	v33 =	vor.u32 s17, v7  }
0xa0: {  	v34 =	vor.u32 s12, v6;
	v33 =	vand.u32 $0x75, v33  }
0xa1: {  	v33 =	vor.u32 v33, v29;
	_ =	sdelay $0x2  }
0xa2: {  	[tilespmem:v32+s2+$0x0] =	vst.idx.msk $0xffff, v30  }
0xa3: {  	[tilespmem:v34+s2+$0x0] =	vst.idx.msk $0xffff, v31  }
0xa4: {  	v30 =	vld.idx.msk [tilespmem:v33+s5+$0x0], $0xffff  }
0xa5: {  	v32 =	vor.u32 s12, v8;
	v31 =	vld.idx.msk [tilespmem:v33+s25+$0x0], $0xffff;
	v33 =	vor.u32 s17, v11  }
0xa6: {  	v34 =	vor.u32 s12, v9;
	v33 =	vand.u32 $0x77, v33  }
0xa7: {  	v33 =	vor.u32 v33, v29;
	_ =	sdelay $0x2  }
0xa8: {  	[tilespmem:v32+s2+$0x0] =	vst.idx.msk $0xffff, v30  }
0xa9: {  	[tilespmem:v34+s2+$0x0] =	vst.idx.msk $0xffff, v31  }
0xaa: {  	v30 =	vld.idx.msk [tilespmem:v33+s5+$0x0], $0xffff  }
0xab: {  	v32 =	vor.u32 s12, v10;
	v31 =	vld.idx.msk [tilespmem:v33+s25+$0x0], $0xffff;
	v33 =	vor.u32 s17, v14  }
0xac: {  	v34 =	vor.u32 s12, v12;
	v33 =	vand.u32 $0x79, v33  }
0xad: {  	v33 =	vor.u32 v33, v29;
	_ =	sdelay $0x2  }
0xae: {  	[tilespmem:v32+s2+$0x0] =	vst.idx.msk $0xffff, v30  }
0xaf: {  	[tilespmem:v34+s2+$0x0] =	vst.idx.msk $0xffff, v31  }
0xb0: {  	v31 =	vor.u32 s12, v15;
	v30 =	vld.idx.msk [tilespmem:v33+s5+$0x0], $0xffff  }
0xb1: {  	v31 =	vand.u32 v13, v31;
	v32 =	vld.idx.msk [tilespmem:v33+s25+$0x0], $0xffff;
	v33 =	vor.u32 s17, v17  }
0xb2: {  	v34 =	vor.u32 s12, v16;
	v33 =	vand.u32 $0x7B, v33  }
0xb3: {  	v33 =	vor.u32 v33, v29;
	_ =	sdelay $0x2  }
0xb4: {  	[tilespmem:v31+s2+$0x0] =	vst.idx.msk $0xffff, v30  }
0xb5: {  	[tilespmem:v34+s2+$0x0] =	vst.idx.msk $0xffff, v32  }
0xb6: {  	v31 =	vor.u32 s12, v20;
	v30 =	vld.idx.msk [tilespmem:v33+s5+$0x0], $0xffff  }
0xb7: {  	v31 =	vand.u32 v18, v31;
	v32 =	vld.idx.msk [tilespmem:v33+s25+$0x0], $0xffff;
	v33 =	vor.u32 s17, v23  }
0xb8: {  	v34 =	vor.u32 s12, v21;
	v33 =	vand.u32 $0x7D, v33  }
0xb9: {  	v33 =	vor.u32 v33, v29;
	_ =	sdelay $0x2  }
0xba: {  	[tilespmem:v31+s2+$0x0] =	vst.idx.msk $0xffff, v30  }
0xbb: {  	[tilespmem:v34+s2+$0x0] =	vst.idx.msk $0xffff, v32  }
0xbc: {  	v31 =	vor.u32 s12, v24;
	v30 =	vld.idx.msk [tilespmem:v33+s5+$0x0], $0xffff  }
0xbd: {  	v31 =	vand.u32 v19, v31;
	v32 =	vld.idx.msk [tilespmem:v33+s25+$0x0], $0xffff;
	v33 =	vor.u32 s17, v26;
	s17 =	smov.u32 s21  }
0xbe: {  	v34 =	vor.u32 s12, v25;
	v33 =	vand.u32 $0x7F, v33  }
0xbf: {  	v29 =	vor.u32 v33, v29;
	_ =	sdelay $0x2  }
0xc0: {  	[tilespmem:v31+s2+$0x0] =	vst.idx.msk $0xffff, v30  }
0xc1: {  	v30 =	vmov s17;
	[tilespmem:v34+s2+$0x0] =	vst.idx.msk $0xffff, v32  }
0xc2: {  	v31 =	vor.u32 s12, v27;
	v30 =	vshll.u32 v30, $0x3;
	v33 =	vld.idx.msk [tilespmem:v29+s5+$0x0], $0xffff  }
0xc3: {  	v32 =	vor.u32 s17, v0;
	v35 =	vand.u32 v22, v31;
	v34 =	vand.u32 $0x1C00, v30;
	v30 =	vld.idx.msk [tilespmem:v29+s25+$0x0], $0xffff  }
.Ltmp5:
0xc4: {  	v31 =	vand.u32 $0x71, v32;
	v32 =	vor.u32 s12, v28;
	v29 =	vor.u32 v1, v34;
	(pc) =	sbr.rel @p2 .LBB2_4-.Ltmp5, $2  }
0xc5: {  	v31 =	vor.u32 v31, v29;
	_ =	sdelay $0x2  }
0xc6: {  	[tilespmem:v35+s2+$0x0] =	vst.idx.msk $0xffff, v33  }
0xc7: {  	_ =	sdelay $0x3  }
0xc8: {  	[tilespmem:v32+s2+$0x0] =	vst.idx.msk $0xffff, v30;
	s12 =	sadd.s32 $0x100, s12  }
0xc9: {  	v33 =	vor.u32 s17, v4;
	v30 =	vld.idx.msk [tilespmem:v31+s5+$0x0], $0xffff;
	v50 =	vor.u32 s12, v2  }
0xca: {  	v31 =	vld.idx.msk [tilespmem:v31+s25+$0x0], $0xffff;
	v34 =	vor.u32 s12, v3;
	v33 =	vand.u32 $0x73, v33  }
0xcb: {  	v33 =	vor.u32 v33, v29;
	_ =	sdelay $0x2  }
0xcc: {  	[tilespmem:v50+s2+$0x0] =	vst.idx.msk $0xffff, v30  }
0xcd: {  	[tilespmem:v34+s2+$0x0] =	vst.idx.msk $0xffff, v31  }
0xce: {  	v51 =	vor.u32 s17, v7;
	v31 =	vor.u32 s12, v5;
	v30 =	vld.idx.msk [tilespmem:v33+s5+$0x0], $0xffff  }
0xcf: {  	v52 =	vor.u32 s12, v6;
	v32 =	vand.u32 $0x75, v51;
	v33 =	vld.idx.msk [tilespmem:v33+s25+$0x0], $0xffff  }
0xd0: {  	v32 =	vor.u32 v32, v29;
	_ =	sdelay $0x2  }
0xd1: {  	[tilespmem:v31+s2+$0x0] =	vst.idx.msk $0xffff, v30  }
0xd2: {  	[tilespmem:v52+s2+$0x0] =	vst.idx.msk $0xffff, v33  }
0xd3: {  	v53 =	vor.u32 s17, v11;
	v31 =	vor.u32 s12, v8;
	v30 =	vld.idx.msk [tilespmem:v32+s5+$0x0], $0xffff  }
0xd4: {  	v54 =	vor.u32 s12, v9;
	v33 =	vand.u32 $0x77, v53;
	v32 =	vld.idx.msk [tilespmem:v32+s25+$0x0], $0xffff  }
0xd5: {  	v33 =	vor.u32 v33, v29;
	_ =	sdelay $0x2  }
0xd6: {  	[tilespmem:v31+s2+$0x0] =	vst.idx.msk $0xffff, v30  }
0xd7: {  	[tilespmem:v54+s2+$0x0] =	vst.idx.msk $0xffff, v32  }
0xd8: {  	v55 =	vor.u32 s17, v14;
	v31 =	vor.u32 s12, v10;
	v30 =	vld.idx.msk [tilespmem:v33+s5+$0x0], $0xffff  }
0xd9: {  	v56 =	vor.u32 s12, v12;
	v32 =	vand.u32 $0x79, v55;
	v33 =	vld.idx.msk [tilespmem:v33+s25+$0x0], $0xffff  }
0xda: {  	v32 =	vor.u32 v32, v29;
	_ =	sdelay $0x2  }
0xdb: {  	[tilespmem:v31+s2+$0x0] =	vst.idx.msk $0xffff, v30  }
0xdc: {  	v30 =	vor.u32 s12, v15;
	[tilespmem:v56+s2+$0x0] =	vst.idx.msk $0xffff, v33  }
0xdd: {  	v57 =	vor.u32 s17, v17;
	v30 =	vand.u32 v13, v30;
	v31 =	vld.idx.msk [tilespmem:v32+s5+$0x0], $0xffff  }
0xde: {  	v58 =	vor.u32 s12, v16;
	v33 =	vand.u32 $0x7B, v57;
	v32 =	vld.idx.msk [tilespmem:v32+s25+$0x0], $0xffff  }
0xdf: {  	v33 =	vor.u32 v33, v29;
	_ =	sdelay $0x2  }
0xe0: {  	[tilespmem:v30+s2+$0x0] =	vst.idx.msk $0xffff, v31  }
0xe1: {  	v30 =	vor.u32 s12, v20;
	[tilespmem:v58+s2+$0x0] =	vst.idx.msk $0xffff, v32  }
0xe2: {  	v59 =	vor.u32 s17, v23;
	v30 =	vand.u32 v18, v30;
	v31 =	vld.idx.msk [tilespmem:v33+s5+$0x0], $0xffff  }
0xe3: {  	v60 =	vor.u32 s12, v21;
	v32 =	vand.u32 $0x7D, v59;
	v33 =	vld.idx.msk [tilespmem:v33+s25+$0x0], $0xffff  }
0xe4: {  	v32 =	vor.u32 v32, v29;
	_ =	sdelay $0x2  }
0xe5: {  	[tilespmem:v30+s2+$0x0] =	vst.idx.msk $0xffff, v31  }
0xe6: {  	v30 =	vor.u32 s12, v24;
	[tilespmem:v60+s2+$0x0] =	vst.idx.msk $0xffff, v33  }
0xe7: {  	v61 =	vor.u32 s17, v26;
	v30 =	vand.u32 v19, v30;
	v31 =	vld.idx.msk [tilespmem:v32+s5+$0x0], $0xffff  }
0xe8: {  	v62 =	vor.u32 s12, v25;
	v33 =	vand.u32 $0x7F, v61;
	v32 =	vld.idx.msk [tilespmem:v32+s25+$0x0], $0xffff  }
0xe9: {  	v29 =	vor.u32 v33, v29;
	_ =	sdelay $0x2  }
0xea: {  	[tilespmem:v30+s2+$0x0] =	vst.idx.msk $0xffff, v31  }
0xeb: {  	v30 =	vor.u32 s12, v27;
	[tilespmem:v62+s2+$0x0] =	vst.idx.msk $0xffff, v32  }
0xec: {  	v30 =	vand.u32 v22, v30;
	v31 =	vld.idx.msk [tilespmem:v29+s5+$0x0], $0xffff  }
0xed: {  	v63 =	vor.u32 s12, v28;
	v29 =	vld.idx.msk [tilespmem:v29+s25+$0x0], $0xffff;
	_ =	sdelay $0x3  }
0xee: {  	s21 =	sshll.u32 s13, $0xB;
	[tilespmem:v30+s2+$0x0] =	vst.idx.msk $0xffff, v31  }
0xef: {  	s12 =	sadd.s32 s3, s21;
	[tilespmem:v63+s2+$0x0] =	vst.idx.msk $0xffff, v29  }
0xf0: {  	[hbm4b:s12+s5] =	stream.linear.scatter [tilespmem:s2], [sflag:$0x4], $0x4000, $0x38;
	[tilespmem:$0x18400] =	vst v63  }
0xf1: {  	s12 =	sadd.s32 $0x3, s11  }
0xf2: {  	p2 =	sge.u32 s12, s7  }
0xf3: {  	s12 =	sshll.u32 @!p2 s12, $0xF  }
0xf4: {  	s12 =	sor.u32 @!p2 s8, s12  }
0xf5: {  	s17 =	simm.s32 @!p2 $0x0;
	s13 =	sadd.s32 @!p2 s0, s12  }
0xf6: {  	[tilespmem:s17], [sflag:$0x1] =	stream.linear.gather @!p2 [hbm4b:s13+s17], $0x2000, $0x38;
	[tilespmem:$0x18400] =	vst v63  }
0xf7: {  	s12 =	sadd.s32 @!p2 s10, s12;
	s13 =	simm.s32 @!p2 $0x2000  }
0xf8: {  	[tilespmem:s13], [sflag:$0x1] =	stream.linear.gather @!p2 [hbm4b:s12+s17], $0x2000, $0x38;
	[tilespmem:$0x18400] =	vst v63  }
.LBB2_6:
0xf9: {  	s12 =	sadd.s32 $0x1, s11  }
0xfa: {  	p2 =	sge.u32 s12, s7  }
.Ltmp6:
0xfb: {  	_ = 	snop;
	(pc) =	sbr.rel @p2 .LBB2_10-.Ltmp6, $1  }
0xfc: {  	_ =	sdelay $0x3  }
0xfd: {  	s13 =	simm.s32 $0x0  }
0xfe: {  	_ =	swait.ge [sflag:s4], $0x2000;
	v29 =	vmov s13  }
0xff: {  	[sflag:s4] =	ssyncset.done $0x0;
	v29 =	vshll.u32 v29, $0x3  }
0x100: {  	v30 =	vor.u32 s13, v0;
	[sflag:s4] =	ssyncadd.s32 $0xFFFFE000;
	v29 =	vand.u32 $0x1C00, v29  }
0x101: {  	v30 =	vand.u32 $0x71, v30;
	_ =	swait.ge [sflag:s4], $0x2000;
	v29 =	vor.u32 v1, v29  }
0x102: {  	p2 =	seq.s32 s9, $0x0;
	[sflag:s4] =	ssyncset.done $0x0;
	v30 =	vor.u32 v30, v29  }
0x103: {  	s17 =	simm.s32 @!p2 $0x5;
	[sflag:s4] =	ssyncadd.s32 $0xFFFFE000  }
0x104: {  	_ =	swait.ge @!p2 [sflag:s17], $0x4000  }
0x105: {  	[sflag:s17] =	ssyncset.done @!p2 $0x0  }
0x106: {  	[sflag:s17] =	ssyncadd.s32 @!p2 $0xFFFFC000  }
0x107: {  	v32 =	vor.u32 s13, v2;
	v33 =	vor.u32 s13, v4;
	v31 =	vld.idx.msk [tilespmem:v30+s26+$0x0], $0xffff  }
0x108: {  	v34 =	vor.u32 s13, v3;
	v33 =	vand.u32 $0x73, v33;
	v30 =	vld.idx.msk [tilespmem:v30+s28+$0x0], $0xffff  }
0x109: {  	v33 =	vor.u32 v33, v29;
	_ =	sdelay $0x2  }
0x10a: {  	[tilespmem:v32+s1+$0x0] =	vst.idx.msk $0xffff, v31  }
0x10b: {  	[tilespmem:v34+s1+$0x0] =	vst.idx.msk $0xffff, v30  }
0x10c: {  	v50 =	vor.u32 s13, v7;
	v31 =	vor.u32 s13, v5;
	v30 =	vld.idx.msk [tilespmem:v33+s26+$0x0], $0xffff  }
0x10d: {  	v51 =	vor.u32 s13, v6;
	v32 =	vand.u32 $0x75, v50;
	v33 =	vld.idx.msk [tilespmem:v33+s28+$0x0], $0xffff  }
0x10e: {  	v32 =	vor.u32 v32, v29;
	_ =	sdelay $0x2  }
0x10f: {  	[tilespmem:v31+s1+$0x0] =	vst.idx.msk $0xffff, v30  }
0x110: {  	[tilespmem:v51+s1+$0x0] =	vst.idx.msk $0xffff, v33  }
0x111: {  	v52 =	vor.u32 s13, v11;
	v31 =	vor.u32 s13, v8;
	v30 =	vld.idx.msk [tilespmem:v32+s26+$0x0], $0xffff  }
0x112: {  	v53 =	vor.u32 s13, v9;
	v33 =	vand.u32 $0x77, v52;
	v32 =	vld.idx.msk [tilespmem:v32+s28+$0x0], $0xffff  }
0x113: {  	v33 =	vor.u32 v33, v29;
	_ =	sdelay $0x2  }
0x114: {  	[tilespmem:v31+s1+$0x0] =	vst.idx.msk $0xffff, v30  }
0x115: {  	[tilespmem:v53+s1+$0x0] =	vst.idx.msk $0xffff, v32  }
0x116: {  	v54 =	vor.u32 s13, v14;
	v31 =	vor.u32 s13, v10;
	v30 =	vld.idx.msk [tilespmem:v33+s26+$0x0], $0xffff  }
0x117: {  	v55 =	vor.u32 s13, v12;
	v32 =	vand.u32 $0x79, v54;
	v33 =	vld.idx.msk [tilespmem:v33+s28+$0x0], $0xffff  }
0x118: {  	v32 =	vor.u32 v32, v29;
	_ =	sdelay $0x2  }
0x119: {  	[tilespmem:v31+s1+$0x0] =	vst.idx.msk $0xffff, v30  }
0x11a: {  	v30 =	vor.u32 s13, v15;
	[tilespmem:v55+s1+$0x0] =	vst.idx.msk $0xffff, v33  }
0x11b: {  	v56 =	vor.u32 s13, v17;
	v30 =	vand.u32 v13, v30;
	v31 =	vld.idx.msk [tilespmem:v32+s26+$0x0], $0xffff  }
0x11c: {  	v57 =	vor.u32 s13, v16;
	v33 =	vand.u32 $0x7B, v56;
	v32 =	vld.idx.msk [tilespmem:v32+s28+$0x0], $0xffff  }
0x11d: {  	v33 =	vor.u32 v33, v29;
	_ =	sdelay $0x2  }
0x11e: {  	[tilespmem:v30+s1+$0x0] =	vst.idx.msk $0xffff, v31  }
0x11f: {  	v30 =	vor.u32 s13, v20;
	[tilespmem:v57+s1+$0x0] =	vst.idx.msk $0xffff, v32  }
0x120: {  	v58 =	vor.u32 s13, v23;
	v30 =	vand.u32 v18, v30;
	v31 =	vld.idx.msk [tilespmem:v33+s26+$0x0], $0xffff  }
0x121: {  	v59 =	vor.u32 s13, v21;
	v32 =	vand.u32 $0x7D, v58;
	v33 =	vld.idx.msk [tilespmem:v33+s28+$0x0], $0xffff  }
0x122: {  	v32 =	vor.u32 v32, v29;
	_ =	sdelay $0x2  }
0x123: {  	[tilespmem:v30+s1+$0x0] =	vst.idx.msk $0xffff, v31  }
0x124: {  	v30 =	vor.u32 s13, v24;
	[tilespmem:v59+s1+$0x0] =	vst.idx.msk $0xffff, v33  }
0x125: {  	v60 =	vor.u32 s13, v26;
	v30 =	vand.u32 v19, v30;
	v31 =	vld.idx.msk [tilespmem:v32+s26+$0x0], $0xffff  }
0x126: {  	v61 =	vor.u32 s13, v25;
	v33 =	vand.u32 $0x7F, v60;
	v32 =	vld.idx.msk [tilespmem:v32+s28+$0x0], $0xffff  }
0x127: {  	v29 =	vor.u32 v33, v29;
	_ =	sdelay $0x2  }
0x128: {  	s17 =	simm.s32 $0x10;
	[tilespmem:v30+s1+$0x0] =	vst.idx.msk $0xffff, v31;
	v30 =	vor.u32 s13, v27  }
0x129: {  	[tilespmem:v61+s1+$0x0] =	vst.idx.msk $0xffff, v32;
	v62 =	vand.u32 v22, v30;
	v30 =	vmov s17  }
0x12a: {  	v33 =	vld.idx.msk [tilespmem:v29+s26+$0x0], $0xffff;
	v30 =	vshll.u32 v30, $0x3  }
0x12b: {  	v31 =	vor.u32 s17, v0;
	v63 =	vand.u32 $0x1C00, v30  }
0x12c: {  	v31 =	vand.u32 $0x71, v31;
	v32 =	vor.u32 s13, v28;
	v30 =	vld.idx.msk [tilespmem:v29+s28+$0x0], $0xffff;
	v29 =	vor.u32 v1, v63  }
0x12d: {  	v31 =	vor.u32 v31, v29;
	_ =	sdelay $0x1  }
0x12e: {  	s18 =	simm.s32 $0x20;
	[tilespmem:v62+s1+$0x0] =	vst.idx.msk $0xffff, v33  }
.LBB2_8:
0x12f: {  	p2 =	sne.s32 s18, $0x3F0  }
0x130: {  	[tilespmem:v32+s1+$0x0] =	vst.idx.msk $0xffff, v30;
	s13 =	sadd.s32 $0x100, s13;
	s21 =	smov.u32 s18;
	s18 =	sadd.s32 $0x10, s18  }
0x131: {  	v30 =	vld.idx.msk [tilespmem:v31+s26+$0x0], $0xffff  }
0x132: {  	v33 =	vor.u32 s17, v4;
	v32 =	vor.u32 s13, v2;
	v31 =	vld.idx.msk [tilespmem:v31+s28+$0x0], $0xffff  }
0x133: {  	v34 =	vor.u32 s13, v3;
	v33 =	vand.u32 $0x73, v33  }
0x134: {  	v33 =	vor.u32 v33, v29;
	_ =	sdelay $0x2  }
0x135: {  	[tilespmem:v32+s1+$0x0] =	vst.idx.msk $0xffff, v30  }
0x136: {  	[tilespmem:v34+s1+$0x0] =	vst.idx.msk $0xffff, v31  }
0x137: {  	v30 =	vld.idx.msk [tilespmem:v33+s26+$0x0], $0xffff  }
0x138: {  	v32 =	vor.u32 s13, v5;
	v31 =	vld.idx.msk [tilespmem:v33+s28+$0x0], $0xffff;
	v33 =	vor.u32 s17, v7  }
0x139: {  	v34 =	vor.u32 s13, v6;
	v33 =	vand.u32 $0x75, v33  }
0x13a: {  	v33 =	vor.u32 v33, v29;
	_ =	sdelay $0x2  }
0x13b: {  	[tilespmem:v32+s1+$0x0] =	vst.idx.msk $0xffff, v30  }
0x13c: {  	[tilespmem:v34+s1+$0x0] =	vst.idx.msk $0xffff, v31  }
0x13d: {  	v30 =	vld.idx.msk [tilespmem:v33+s26+$0x0], $0xffff  }
0x13e: {  	v32 =	vor.u32 s13, v8;
	v31 =	vld.idx.msk [tilespmem:v33+s28+$0x0], $0xffff;
	v33 =	vor.u32 s17, v11  }
0x13f: {  	v34 =	vor.u32 s13, v9;
	v33 =	vand.u32 $0x77, v33  }
0x140: {  	v33 =	vor.u32 v33, v29;
	_ =	sdelay $0x2  }
0x141: {  	[tilespmem:v32+s1+$0x0] =	vst.idx.msk $0xffff, v30  }
0x142: {  	[tilespmem:v34+s1+$0x0] =	vst.idx.msk $0xffff, v31  }
0x143: {  	v30 =	vld.idx.msk [tilespmem:v33+s26+$0x0], $0xffff  }
0x144: {  	v32 =	vor.u32 s13, v10;
	v31 =	vld.idx.msk [tilespmem:v33+s28+$0x0], $0xffff;
	v33 =	vor.u32 s17, v14  }
0x145: {  	v34 =	vor.u32 s13, v12;
	v33 =	vand.u32 $0x79, v33  }
0x146: {  	v33 =	vor.u32 v33, v29;
	_ =	sdelay $0x2  }
0x147: {  	[tilespmem:v32+s1+$0x0] =	vst.idx.msk $0xffff, v30  }
0x148: {  	[tilespmem:v34+s1+$0x0] =	vst.idx.msk $0xffff, v31  }
0x149: {  	v31 =	vor.u32 s13, v15;
	v30 =	vld.idx.msk [tilespmem:v33+s26+$0x0], $0xffff  }
0x14a: {  	v31 =	vand.u32 v13, v31;
	v32 =	vld.idx.msk [tilespmem:v33+s28+$0x0], $0xffff;
	v33 =	vor.u32 s17, v17  }
0x14b: {  	v34 =	vor.u32 s13, v16;
	v33 =	vand.u32 $0x7B, v33  }
0x14c: {  	v33 =	vor.u32 v33, v29;
	_ =	sdelay $0x2  }
0x14d: {  	[tilespmem:v31+s1+$0x0] =	vst.idx.msk $0xffff, v30  }
0x14e: {  	[tilespmem:v34+s1+$0x0] =	vst.idx.msk $0xffff, v32  }
0x14f: {  	v31 =	vor.u32 s13, v20;
	v30 =	vld.idx.msk [tilespmem:v33+s26+$0x0], $0xffff  }
0x150: {  	v31 =	vand.u32 v18, v31;
	v32 =	vld.idx.msk [tilespmem:v33+s28+$0x0], $0xffff;
	v33 =	vor.u32 s17, v23  }
0x151: {  	v34 =	vor.u32 s13, v21;
	v33 =	vand.u32 $0x7D, v33  }
0x152: {  	v33 =	vor.u32 v33, v29;
	_ =	sdelay $0x2  }
0x153: {  	[tilespmem:v31+s1+$0x0] =	vst.idx.msk $0xffff, v30  }
0x154: {  	[tilespmem:v34+s1+$0x0] =	vst.idx.msk $0xffff, v32  }
0x155: {  	v31 =	vor.u32 s13, v24;
	v30 =	vld.idx.msk [tilespmem:v33+s26+$0x0], $0xffff  }
0x156: {  	v31 =	vand.u32 v19, v31;
	v32 =	vld.idx.msk [tilespmem:v33+s28+$0x0], $0xffff;
	v33 =	vor.u32 s17, v26;
	s17 =	smov.u32 s21  }
0x157: {  	v34 =	vor.u32 s13, v25;
	v33 =	vand.u32 $0x7F, v33  }
0x158: {  	v29 =	vor.u32 v33, v29;
	_ =	sdelay $0x2  }
0x159: {  	[tilespmem:v31+s1+$0x0] =	vst.idx.msk $0xffff, v30  }
0x15a: {  	v30 =	vmov s17;
	[tilespmem:v34+s1+$0x0] =	vst.idx.msk $0xffff, v32  }
0x15b: {  	v31 =	vor.u32 s13, v27;
	v30 =	vshll.u32 v30, $0x3;
	v33 =	vld.idx.msk [tilespmem:v29+s26+$0x0], $0xffff  }
0x15c: {  	v32 =	vor.u32 s17, v0;
	v35 =	vand.u32 v22, v31;
	v34 =	vand.u32 $0x1C00, v30;
	v30 =	vld.idx.msk [tilespmem:v29+s28+$0x0], $0xffff  }
.Ltmp7:
0x15d: {  	v31 =	vand.u32 $0x71, v32;
	v32 =	vor.u32 s13, v28;
	v29 =	vor.u32 v1, v34;
	(pc) =	sbr.rel @p2 .LBB2_8-.Ltmp7, $2  }
0x15e: {  	v31 =	vor.u32 v31, v29;
	_ =	sdelay $0x2  }
0x15f: {  	[tilespmem:v35+s1+$0x0] =	vst.idx.msk $0xffff, v33  }
0x160: {  	_ =	sdelay $0x3  }
0x161: {  	[tilespmem:v32+s1+$0x0] =	vst.idx.msk $0xffff, v30;
	s13 =	sadd.s32 $0x100, s13  }
0x162: {  	v33 =	vor.u32 s17, v4;
	v30 =	vld.idx.msk [tilespmem:v31+s26+$0x0], $0xffff;
	v50 =	vor.u32 s13, v2  }
0x163: {  	v31 =	vld.idx.msk [tilespmem:v31+s28+$0x0], $0xffff;
	v34 =	vor.u32 s13, v3;
	v33 =	vand.u32 $0x73, v33  }
0x164: {  	v33 =	vor.u32 v33, v29;
	_ =	sdelay $0x2  }
0x165: {  	[tilespmem:v50+s1+$0x0] =	vst.idx.msk $0xffff, v30  }
0x166: {  	[tilespmem:v34+s1+$0x0] =	vst.idx.msk $0xffff, v31  }
0x167: {  	v51 =	vor.u32 s17, v7;
	v31 =	vor.u32 s13, v5;
	v30 =	vld.idx.msk [tilespmem:v33+s26+$0x0], $0xffff  }
0x168: {  	v52 =	vor.u32 s13, v6;
	v32 =	vand.u32 $0x75, v51;
	v33 =	vld.idx.msk [tilespmem:v33+s28+$0x0], $0xffff  }
0x169: {  	v32 =	vor.u32 v32, v29;
	_ =	sdelay $0x2  }
0x16a: {  	[tilespmem:v31+s1+$0x0] =	vst.idx.msk $0xffff, v30  }
0x16b: {  	[tilespmem:v52+s1+$0x0] =	vst.idx.msk $0xffff, v33  }
0x16c: {  	v53 =	vor.u32 s17, v11;
	v31 =	vor.u32 s13, v8;
	v30 =	vld.idx.msk [tilespmem:v32+s26+$0x0], $0xffff  }
0x16d: {  	v54 =	vor.u32 s13, v9;
	v33 =	vand.u32 $0x77, v53;
	v32 =	vld.idx.msk [tilespmem:v32+s28+$0x0], $0xffff  }
0x16e: {  	v33 =	vor.u32 v33, v29;
	_ =	sdelay $0x2  }
0x16f: {  	[tilespmem:v31+s1+$0x0] =	vst.idx.msk $0xffff, v30  }
0x170: {  	[tilespmem:v54+s1+$0x0] =	vst.idx.msk $0xffff, v32  }
0x171: {  	v55 =	vor.u32 s17, v14;
	v31 =	vor.u32 s13, v10;
	v30 =	vld.idx.msk [tilespmem:v33+s26+$0x0], $0xffff  }
0x172: {  	v56 =	vor.u32 s13, v12;
	v32 =	vand.u32 $0x79, v55;
	v33 =	vld.idx.msk [tilespmem:v33+s28+$0x0], $0xffff  }
0x173: {  	v32 =	vor.u32 v32, v29;
	_ =	sdelay $0x2  }
0x174: {  	[tilespmem:v31+s1+$0x0] =	vst.idx.msk $0xffff, v30  }
0x175: {  	v30 =	vor.u32 s13, v15;
	[tilespmem:v56+s1+$0x0] =	vst.idx.msk $0xffff, v33  }
0x176: {  	v57 =	vor.u32 s17, v17;
	v30 =	vand.u32 v13, v30;
	v31 =	vld.idx.msk [tilespmem:v32+s26+$0x0], $0xffff  }
0x177: {  	v58 =	vor.u32 s13, v16;
	v33 =	vand.u32 $0x7B, v57;
	v32 =	vld.idx.msk [tilespmem:v32+s28+$0x0], $0xffff  }
0x178: {  	v33 =	vor.u32 v33, v29;
	_ =	sdelay $0x2  }
0x179: {  	[tilespmem:v30+s1+$0x0] =	vst.idx.msk $0xffff, v31  }
0x17a: {  	v30 =	vor.u32 s13, v20;
	[tilespmem:v58+s1+$0x0] =	vst.idx.msk $0xffff, v32  }
0x17b: {  	v59 =	vor.u32 s17, v23;
	v30 =	vand.u32 v18, v30;
	v31 =	vld.idx.msk [tilespmem:v33+s26+$0x0], $0xffff  }
0x17c: {  	v60 =	vor.u32 s13, v21;
	v32 =	vand.u32 $0x7D, v59;
	v33 =	vld.idx.msk [tilespmem:v33+s28+$0x0], $0xffff  }
0x17d: {  	v32 =	vor.u32 v32, v29;
	_ =	sdelay $0x2  }
0x17e: {  	[tilespmem:v30+s1+$0x0] =	vst.idx.msk $0xffff, v31  }
0x17f: {  	v30 =	vor.u32 s13, v24;
	[tilespmem:v60+s1+$0x0] =	vst.idx.msk $0xffff, v33  }
0x180: {  	v61 =	vor.u32 s17, v26;
	v30 =	vand.u32 v19, v30;
	v31 =	vld.idx.msk [tilespmem:v32+s26+$0x0], $0xffff  }
0x181: {  	v62 =	vor.u32 s13, v25;
	v33 =	vand.u32 $0x7F, v61;
	v32 =	vld.idx.msk [tilespmem:v32+s28+$0x0], $0xffff  }
0x182: {  	v29 =	vor.u32 v33, v29;
	_ =	sdelay $0x2  }
0x183: {  	[tilespmem:v30+s1+$0x0] =	vst.idx.msk $0xffff, v31  }
0x184: {  	v30 =	vor.u32 s13, v27;
	[tilespmem:v62+s1+$0x0] =	vst.idx.msk $0xffff, v32  }
0x185: {  	v30 =	vand.u32 v22, v30;
	v31 =	vld.idx.msk [tilespmem:v29+s26+$0x0], $0xffff  }
0x186: {  	v63 =	vor.u32 s13, v28;
	v29 =	vld.idx.msk [tilespmem:v29+s28+$0x0], $0xffff;
	_ =	sdelay $0x3  }
0x187: {  	s12 =	sshll.u32 s12, $0x10;
	[tilespmem:v30+s1+$0x0] =	vst.idx.msk $0xffff, v31  }
0x188: {  	s12 =	sadd.s32 s12, s19;
	[tilespmem:v63+s1+$0x0] =	vst.idx.msk $0xffff, v29  }
0x189: {  	[hbm4b:s12+s5] =	stream.linear.scatter [tilespmem:s1], [sflag:$0x5], $0x4000, $0x38;
	[tilespmem:$0x18400] =	vst v63  }
0x18a: {  	s12 =	sadd.s32 $0x4, s11  }
0x18b: {  	p2 =	sge.u32 s12, s7  }
0x18c: {  	s12 =	sshll.u32 @!p2 s12, $0xF  }
0x18d: {  	s12 =	sor.u32 @!p2 s8, s12  }
0x18e: {  	s17 =	simm.s32 @!p2 $0x0;
	s18 =	simm.s32 @!p2 $0x4000;
	s13 =	sadd.s32 @!p2 s0, s12  }
0x18f: {  	[tilespmem:s18], [sflag:$0x2] =	stream.linear.gather @!p2 [hbm4b:s13+s17], $0x2000, $0x38;
	[tilespmem:$0x18400] =	vst v63  }
0x190: {  	s12 =	sadd.s32 @!p2 s10, s12;
	s13 =	simm.s32 @!p2 $0x6000  }
0x191: {  	[tilespmem:s13], [sflag:$0x2] =	stream.linear.gather @!p2 [hbm4b:s12+s17], $0x2000, $0x38;
	[tilespmem:$0x18400] =	vst v63  }
.LBB2_10:
0x192: {  	s12 =	sadd.s32 $0x2, s11  }
0x193: {  	p2 =	sge.u32 s12, s7  }
.Ltmp8:
0x194: {  	_ = 	snop;
	(pc) =	sbr.rel @p2 .LBB2_14-.Ltmp8, $1  }
0x195: {  	_ =	sdelay $0x3  }
0x196: {  	s13 =	simm.s32 $0x0  }
0x197: {  	_ =	swait.ge [sflag:s14], $0x2000;
	v29 =	vmov s13  }
0x198: {  	[sflag:s14] =	ssyncset.done $0x0;
	v29 =	vshll.u32 v29, $0x3  }
0x199: {  	v30 =	vor.u32 s13, v0;
	[sflag:s14] =	ssyncadd.s32 $0xFFFFE000;
	v29 =	vand.u32 $0x1C00, v29  }
0x19a: {  	v30 =	vand.u32 $0x71, v30;
	_ =	swait.ge [sflag:s14], $0x2000;
	v29 =	vor.u32 v1, v29  }
0x19b: {  	p2 =	seq.s32 s9, $0x0;
	[sflag:s14] =	ssyncset.done $0x0;
	v30 =	vor.u32 v30, v29  }
0x19c: {  	s17 =	simm.s32 @!p2 $0x6;
	[sflag:s14] =	ssyncadd.s32 $0xFFFFE000  }
0x19d: {  	_ =	swait.ge @!p2 [sflag:s17], $0x4000  }
0x19e: {  	[sflag:s17] =	ssyncset.done @!p2 $0x0  }
0x19f: {  	[sflag:s17] =	ssyncadd.s32 @!p2 $0xFFFFC000  }
0x1a0: {  	v32 =	vor.u32 s13, v2;
	v33 =	vor.u32 s13, v4;
	v31 =	vld.idx.msk [tilespmem:v30+s29+$0x0], $0xffff  }
0x1a1: {  	v34 =	vor.u32 s13, v3;
	v33 =	vand.u32 $0x73, v33;
	v30 =	vld.idx.msk [tilespmem:v30+s30+$0x0], $0xffff  }
0x1a2: {  	v33 =	vor.u32 v33, v29;
	_ =	sdelay $0x2  }
0x1a3: {  	[tilespmem:v32+s15+$0x0] =	vst.idx.msk $0xffff, v31  }
0x1a4: {  	[tilespmem:v34+s15+$0x0] =	vst.idx.msk $0xffff, v30  }
0x1a5: {  	v50 =	vor.u32 s13, v7;
	v31 =	vor.u32 s13, v5;
	v30 =	vld.idx.msk [tilespmem:v33+s29+$0x0], $0xffff  }
0x1a6: {  	v51 =	vor.u32 s13, v6;
	v32 =	vand.u32 $0x75, v50;
	v33 =	vld.idx.msk [tilespmem:v33+s30+$0x0], $0xffff  }
0x1a7: {  	v32 =	vor.u32 v32, v29;
	_ =	sdelay $0x2  }
0x1a8: {  	[tilespmem:v31+s15+$0x0] =	vst.idx.msk $0xffff, v30  }
0x1a9: {  	[tilespmem:v51+s15+$0x0] =	vst.idx.msk $0xffff, v33  }
0x1aa: {  	v52 =	vor.u32 s13, v11;
	v31 =	vor.u32 s13, v8;
	v30 =	vld.idx.msk [tilespmem:v32+s29+$0x0], $0xffff  }
0x1ab: {  	v53 =	vor.u32 s13, v9;
	v33 =	vand.u32 $0x77, v52;
	v32 =	vld.idx.msk [tilespmem:v32+s30+$0x0], $0xffff  }
0x1ac: {  	v33 =	vor.u32 v33, v29;
	_ =	sdelay $0x2  }
0x1ad: {  	[tilespmem:v31+s15+$0x0] =	vst.idx.msk $0xffff, v30  }
0x1ae: {  	[tilespmem:v53+s15+$0x0] =	vst.idx.msk $0xffff, v32  }
0x1af: {  	v54 =	vor.u32 s13, v14;
	v31 =	vor.u32 s13, v10;
	v30 =	vld.idx.msk [tilespmem:v33+s29+$0x0], $0xffff  }
0x1b0: {  	v55 =	vor.u32 s13, v12;
	v32 =	vand.u32 $0x79, v54;
	v33 =	vld.idx.msk [tilespmem:v33+s30+$0x0], $0xffff  }
0x1b1: {  	v32 =	vor.u32 v32, v29;
	_ =	sdelay $0x2  }
0x1b2: {  	[tilespmem:v31+s15+$0x0] =	vst.idx.msk $0xffff, v30  }
0x1b3: {  	v30 =	vor.u32 s13, v15;
	[tilespmem:v55+s15+$0x0] =	vst.idx.msk $0xffff, v33  }
0x1b4: {  	v56 =	vor.u32 s13, v17;
	v30 =	vand.u32 v13, v30;
	v31 =	vld.idx.msk [tilespmem:v32+s29+$0x0], $0xffff  }
0x1b5: {  	v57 =	vor.u32 s13, v16;
	v33 =	vand.u32 $0x7B, v56;
	v32 =	vld.idx.msk [tilespmem:v32+s30+$0x0], $0xffff  }
0x1b6: {  	v33 =	vor.u32 v33, v29;
	_ =	sdelay $0x2  }
0x1b7: {  	[tilespmem:v30+s15+$0x0] =	vst.idx.msk $0xffff, v31  }
0x1b8: {  	v30 =	vor.u32 s13, v20;
	[tilespmem:v57+s15+$0x0] =	vst.idx.msk $0xffff, v32  }
0x1b9: {  	v58 =	vor.u32 s13, v23;
	v30 =	vand.u32 v18, v30;
	v31 =	vld.idx.msk [tilespmem:v33+s29+$0x0], $0xffff  }
0x1ba: {  	v59 =	vor.u32 s13, v21;
	v32 =	vand.u32 $0x7D, v58;
	v33 =	vld.idx.msk [tilespmem:v33+s30+$0x0], $0xffff  }
0x1bb: {  	v32 =	vor.u32 v32, v29;
	_ =	sdelay $0x2  }
0x1bc: {  	[tilespmem:v30+s15+$0x0] =	vst.idx.msk $0xffff, v31  }
0x1bd: {  	v30 =	vor.u32 s13, v24;
	[tilespmem:v59+s15+$0x0] =	vst.idx.msk $0xffff, v33  }
0x1be: {  	v60 =	vor.u32 s13, v26;
	v30 =	vand.u32 v19, v30;
	v31 =	vld.idx.msk [tilespmem:v32+s29+$0x0], $0xffff  }
0x1bf: {  	v61 =	vor.u32 s13, v25;
	v33 =	vand.u32 $0x7F, v60;
	v32 =	vld.idx.msk [tilespmem:v32+s30+$0x0], $0xffff  }
0x1c0: {  	v29 =	vor.u32 v33, v29;
	_ =	sdelay $0x2  }
0x1c1: {  	s17 =	simm.s32 $0x10;
	[tilespmem:v30+s15+$0x0] =	vst.idx.msk $0xffff, v31;
	v30 =	vor.u32 s13, v27  }
0x1c2: {  	[tilespmem:v61+s15+$0x0] =	vst.idx.msk $0xffff, v32;
	v62 =	vand.u32 v22, v30;
	v30 =	vmov s17  }
0x1c3: {  	v33 =	vld.idx.msk [tilespmem:v29+s29+$0x0], $0xffff;
	v30 =	vshll.u32 v30, $0x3  }
0x1c4: {  	v31 =	vor.u32 s17, v0;
	v63 =	vand.u32 $0x1C00, v30  }
0x1c5: {  	v31 =	vand.u32 $0x71, v31;
	v32 =	vor.u32 s13, v28;
	v30 =	vld.idx.msk [tilespmem:v29+s30+$0x0], $0xffff;
	v29 =	vor.u32 v1, v63  }
0x1c6: {  	v31 =	vor.u32 v31, v29;
	_ =	sdelay $0x1  }
0x1c7: {  	s18 =	simm.s32 $0x20;
	[tilespmem:v62+s15+$0x0] =	vst.idx.msk $0xffff, v33  }
.LBB2_12:
0x1c8: {  	p2 =	sne.s32 s18, $0x3F0  }
0x1c9: {  	[tilespmem:v32+s15+$0x0] =	vst.idx.msk $0xffff, v30;
	s13 =	sadd.s32 $0x100, s13;
	s21 =	smov.u32 s18;
	s18 =	sadd.s32 $0x10, s18  }
0x1ca: {  	v30 =	vld.idx.msk [tilespmem:v31+s29+$0x0], $0xffff  }
0x1cb: {  	v33 =	vor.u32 s17, v4;
	v32 =	vor.u32 s13, v2;
	v31 =	vld.idx.msk [tilespmem:v31+s30+$0x0], $0xffff  }
0x1cc: {  	v34 =	vor.u32 s13, v3;
	v33 =	vand.u32 $0x73, v33  }
0x1cd: {  	v33 =	vor.u32 v33, v29;
	_ =	sdelay $0x2  }
0x1ce: {  	[tilespmem:v32+s15+$0x0] =	vst.idx.msk $0xffff, v30  }
0x1cf: {  	[tilespmem:v34+s15+$0x0] =	vst.idx.msk $0xffff, v31  }
0x1d0: {  	v30 =	vld.idx.msk [tilespmem:v33+s29+$0x0], $0xffff  }
0x1d1: {  	v32 =	vor.u32 s13, v5;
	v31 =	vld.idx.msk [tilespmem:v33+s30+$0x0], $0xffff;
	v33 =	vor.u32 s17, v7  }
0x1d2: {  	v34 =	vor.u32 s13, v6;
	v33 =	vand.u32 $0x75, v33  }
0x1d3: {  	v33 =	vor.u32 v33, v29;
	_ =	sdelay $0x2  }
0x1d4: {  	[tilespmem:v32+s15+$0x0] =	vst.idx.msk $0xffff, v30  }
0x1d5: {  	[tilespmem:v34+s15+$0x0] =	vst.idx.msk $0xffff, v31  }
0x1d6: {  	v30 =	vld.idx.msk [tilespmem:v33+s29+$0x0], $0xffff  }
0x1d7: {  	v32 =	vor.u32 s13, v8;
	v31 =	vld.idx.msk [tilespmem:v33+s30+$0x0], $0xffff;
	v33 =	vor.u32 s17, v11  }
0x1d8: {  	v34 =	vor.u32 s13, v9;
	v33 =	vand.u32 $0x77, v33  }
0x1d9: {  	v33 =	vor.u32 v33, v29;
	_ =	sdelay $0x2  }
0x1da: {  	[tilespmem:v32+s15+$0x0] =	vst.idx.msk $0xffff, v30  }
0x1db: {  	[tilespmem:v34+s15+$0x0] =	vst.idx.msk $0xffff, v31  }
0x1dc: {  	v30 =	vld.idx.msk [tilespmem:v33+s29+$0x0], $0xffff  }
0x1dd: {  	v32 =	vor.u32 s13, v10;
	v31 =	vld.idx.msk [tilespmem:v33+s30+$0x0], $0xffff;
	v33 =	vor.u32 s17, v14  }
0x1de: {  	v34 =	vor.u32 s13, v12;
	v33 =	vand.u32 $0x79, v33  }
0x1df: {  	v33 =	vor.u32 v33, v29;
	_ =	sdelay $0x2  }
0x1e0: {  	[tilespmem:v32+s15+$0x0] =	vst.idx.msk $0xffff, v30  }
0x1e1: {  	[tilespmem:v34+s15+$0x0] =	vst.idx.msk $0xffff, v31  }
0x1e2: {  	v31 =	vor.u32 s13, v15;
	v30 =	vld.idx.msk [tilespmem:v33+s29+$0x0], $0xffff  }
0x1e3: {  	v31 =	vand.u32 v13, v31;
	v32 =	vld.idx.msk [tilespmem:v33+s30+$0x0], $0xffff;
	v33 =	vor.u32 s17, v17  }
0x1e4: {  	v34 =	vor.u32 s13, v16;
	v33 =	vand.u32 $0x7B, v33  }
0x1e5: {  	v33 =	vor.u32 v33, v29;
	_ =	sdelay $0x2  }
0x1e6: {  	[tilespmem:v31+s15+$0x0] =	vst.idx.msk $0xffff, v30  }
0x1e7: {  	[tilespmem:v34+s15+$0x0] =	vst.idx.msk $0xffff, v32  }
0x1e8: {  	v31 =	vor.u32 s13, v20;
	v30 =	vld.idx.msk [tilespmem:v33+s29+$0x0], $0xffff  }
0x1e9: {  	v31 =	vand.u32 v18, v31;
	v32 =	vld.idx.msk [tilespmem:v33+s30+$0x0], $0xffff;
	v33 =	vor.u32 s17, v23  }
0x1ea: {  	v34 =	vor.u32 s13, v21;
	v33 =	vand.u32 $0x7D, v33  }
0x1eb: {  	v33 =	vor.u32 v33, v29;
	_ =	sdelay $0x2  }
0x1ec: {  	[tilespmem:v31+s15+$0x0] =	vst.idx.msk $0xffff, v30  }
0x1ed: {  	[tilespmem:v34+s15+$0x0] =	vst.idx.msk $0xffff, v32  }
0x1ee: {  	v31 =	vor.u32 s13, v24;
	v30 =	vld.idx.msk [tilespmem:v33+s29+$0x0], $0xffff  }
0x1ef: {  	v31 =	vand.u32 v19, v31;
	v32 =	vld.idx.msk [tilespmem:v33+s30+$0x0], $0xffff;
	v33 =	vor.u32 s17, v26;
	s17 =	smov.u32 s21  }
0x1f0: {  	v34 =	vor.u32 s13, v25;
	v33 =	vand.u32 $0x7F, v33  }
0x1f1: {  	v29 =	vor.u32 v33, v29;
	_ =	sdelay $0x2  }
0x1f2: {  	[tilespmem:v31+s15+$0x0] =	vst.idx.msk $0xffff, v30  }
0x1f3: {  	v30 =	vmov s17;
	[tilespmem:v34+s15+$0x0] =	vst.idx.msk $0xffff, v32  }
0x1f4: {  	v31 =	vor.u32 s13, v27;
	v30 =	vshll.u32 v30, $0x3;
	v33 =	vld.idx.msk [tilespmem:v29+s29+$0x0], $0xffff  }
0x1f5: {  	v32 =	vor.u32 s17, v0;
	v35 =	vand.u32 v22, v31;
	v34 =	vand.u32 $0x1C00, v30;
	v30 =	vld.idx.msk [tilespmem:v29+s30+$0x0], $0xffff  }
.Ltmp9:
0x1f6: {  	v31 =	vand.u32 $0x71, v32;
	v32 =	vor.u32 s13, v28;
	v29 =	vor.u32 v1, v34;
	(pc) =	sbr.rel @p2 .LBB2_12-.Ltmp9, $2  }
0x1f7: {  	v31 =	vor.u32 v31, v29;
	_ =	sdelay $0x2  }
0x1f8: {  	[tilespmem:v35+s15+$0x0] =	vst.idx.msk $0xffff, v33  }
0x1f9: {  	_ =	sdelay $0x3  }
0x1fa: {  	[tilespmem:v32+s15+$0x0] =	vst.idx.msk $0xffff, v30;
	s13 =	sadd.s32 $0x100, s13  }
0x1fb: {  	v33 =	vor.u32 s17, v4;
	v30 =	vld.idx.msk [tilespmem:v31+s29+$0x0], $0xffff;
	v50 =	vor.u32 s13, v2  }
0x1fc: {  	v31 =	vld.idx.msk [tilespmem:v31+s30+$0x0], $0xffff;
	v34 =	vor.u32 s13, v3;
	v33 =	vand.u32 $0x73, v33  }
0x1fd: {  	v33 =	vor.u32 v33, v29;
	_ =	sdelay $0x2  }
0x1fe: {  	[tilespmem:v50+s15+$0x0] =	vst.idx.msk $0xffff, v30  }
0x1ff: {  	[tilespmem:v34+s15+$0x0] =	vst.idx.msk $0xffff, v31  }
0x200: {  	v51 =	vor.u32 s17, v7;
	v31 =	vor.u32 s13, v5;
	v30 =	vld.idx.msk [tilespmem:v33+s29+$0x0], $0xffff  }
0x201: {  	v52 =	vor.u32 s13, v6;
	v32 =	vand.u32 $0x75, v51;
	v33 =	vld.idx.msk [tilespmem:v33+s30+$0x0], $0xffff  }
0x202: {  	v32 =	vor.u32 v32, v29;
	_ =	sdelay $0x2  }
0x203: {  	[tilespmem:v31+s15+$0x0] =	vst.idx.msk $0xffff, v30  }
0x204: {  	[tilespmem:v52+s15+$0x0] =	vst.idx.msk $0xffff, v33  }
0x205: {  	v53 =	vor.u32 s17, v11;
	v31 =	vor.u32 s13, v8;
	v30 =	vld.idx.msk [tilespmem:v32+s29+$0x0], $0xffff  }
0x206: {  	v54 =	vor.u32 s13, v9;
	v33 =	vand.u32 $0x77, v53;
	v32 =	vld.idx.msk [tilespmem:v32+s30+$0x0], $0xffff  }
0x207: {  	v33 =	vor.u32 v33, v29;
	_ =	sdelay $0x2  }
0x208: {  	[tilespmem:v31+s15+$0x0] =	vst.idx.msk $0xffff, v30  }
0x209: {  	[tilespmem:v54+s15+$0x0] =	vst.idx.msk $0xffff, v32  }
0x20a: {  	v55 =	vor.u32 s17, v14;
	v31 =	vor.u32 s13, v10;
	v30 =	vld.idx.msk [tilespmem:v33+s29+$0x0], $0xffff  }
0x20b: {  	v56 =	vor.u32 s13, v12;
	v32 =	vand.u32 $0x79, v55;
	v33 =	vld.idx.msk [tilespmem:v33+s30+$0x0], $0xffff  }
0x20c: {  	v32 =	vor.u32 v32, v29;
	_ =	sdelay $0x2  }
0x20d: {  	[tilespmem:v31+s15+$0x0] =	vst.idx.msk $0xffff, v30  }
0x20e: {  	v30 =	vor.u32 s13, v15;
	[tilespmem:v56+s15+$0x0] =	vst.idx.msk $0xffff, v33  }
0x20f: {  	v57 =	vor.u32 s17, v17;
	v30 =	vand.u32 v13, v30;
	v31 =	vld.idx.msk [tilespmem:v32+s29+$0x0], $0xffff  }
0x210: {  	v58 =	vor.u32 s13, v16;
	v33 =	vand.u32 $0x7B, v57;
	v32 =	vld.idx.msk [tilespmem:v32+s30+$0x0], $0xffff  }
0x211: {  	v33 =	vor.u32 v33, v29;
	_ =	sdelay $0x2  }
0x212: {  	[tilespmem:v30+s15+$0x0] =	vst.idx.msk $0xffff, v31  }
0x213: {  	v30 =	vor.u32 s13, v20;
	[tilespmem:v58+s15+$0x0] =	vst.idx.msk $0xffff, v32  }
0x214: {  	v59 =	vor.u32 s17, v23;
	v30 =	vand.u32 v18, v30;
	v31 =	vld.idx.msk [tilespmem:v33+s29+$0x0], $0xffff  }
0x215: {  	v60 =	vor.u32 s13, v21;
	v32 =	vand.u32 $0x7D, v59;
	v33 =	vld.idx.msk [tilespmem:v33+s30+$0x0], $0xffff  }
0x216: {  	v32 =	vor.u32 v32, v29;
	_ =	sdelay $0x2  }
0x217: {  	[tilespmem:v30+s15+$0x0] =	vst.idx.msk $0xffff, v31  }
0x218: {  	v30 =	vor.u32 s13, v24;
	[tilespmem:v60+s15+$0x0] =	vst.idx.msk $0xffff, v33  }
0x219: {  	v61 =	vor.u32 s17, v26;
	v30 =	vand.u32 v19, v30;
	v31 =	vld.idx.msk [tilespmem:v32+s29+$0x0], $0xffff  }
0x21a: {  	v62 =	vor.u32 s13, v25;
	v33 =	vand.u32 $0x7F, v61;
	v32 =	vld.idx.msk [tilespmem:v32+s30+$0x0], $0xffff  }
0x21b: {  	v29 =	vor.u32 v33, v29;
	_ =	sdelay $0x2  }
0x21c: {  	[tilespmem:v30+s15+$0x0] =	vst.idx.msk $0xffff, v31  }
0x21d: {  	v30 =	vor.u32 s13, v27;
	[tilespmem:v62+s15+$0x0] =	vst.idx.msk $0xffff, v32  }
0x21e: {  	v30 =	vand.u32 v22, v30;
	v31 =	vld.idx.msk [tilespmem:v29+s29+$0x0], $0xffff  }
0x21f: {  	v63 =	vor.u32 s13, v28;
	v29 =	vld.idx.msk [tilespmem:v29+s30+$0x0], $0xffff;
	_ =	sdelay $0x2  }
0x220: {  	s11 =	sadd.s32 $0x5, s11  }
0x221: {  	s12 =	sshll.u32 s12, $0x10;
	p2 =	sge.u32 s11, s7;
	[tilespmem:v30+s15+$0x0] =	vst.idx.msk $0xffff, v31  }
0x222: {  	s12 =	sadd.s32 s12, s19;
	s11 =	sshll.u32 @!p2 s11, $0xF;
	[tilespmem:v63+s15+$0x0] =	vst.idx.msk $0xffff, v29  }
0x223: {  	[hbm4b:s12+s5] =	stream.linear.scatter [tilespmem:s15], [sflag:$0x6], $0x4000, $0x38;
	[tilespmem:$0x18400] =	vst v63  }
.Ltmp10:
0x224: {  	s11 =	sor.u32 @!p2 s8, s11;
	(pc) =	sbr.rel .LBB2_14-.Ltmp10, $4  }
0x225: {  	s17 =	simm.s32 @!p2 $0x8000;
	s13 =	simm.s32 @!p2 $0x0;
	s12 =	sadd.s32 @!p2 s0, s11  }
0x226: {  	[tilespmem:s17], [sflag:$0x3] =	stream.linear.gather @!p2 [hbm4b:s12+s13], $0x2000, $0x38;
	[tilespmem:$0x18400] =	vst v63  }
0x227: {  	s11 =	sadd.s32 @!p2 s10, s11;
	s12 =	simm.s32 @!p2 $0xA000  }
0x228: {  	[tilespmem:s12], [sflag:$0x3] =	stream.linear.gather @!p2 [hbm4b:s11+s13], $0x2000, $0x38;
	[tilespmem:$0x18400] =	vst v63  }
.LBB2_15:
0x229: {  	_ =	swait.ge [sflag:s22], $0x4000  }
0x22a: {  	[sflag:s22] =	ssyncset.done $0x0  }
0x22b: {  	[sflag:s22] =	ssyncadd.s32 $0xFFFFC000  }
0x22c: {  	_ =	swait.ge [sflag:s23], $0x4000  }
.Ltmp11:
0x22d: {  	[sflag:s23] =	ssyncset.done $0x0;
	(pc) =	sbr.rel @p0 .LBB2_20-.Ltmp11, $4  }
0x22e: {  	[sflag:s23] =	ssyncadd.s32 $0xFFFFC000  }
0x22f: {  	_ =	swait.ge [sflag:s24], $0x4000  }
0x230: {  	[sflag:s24] =	ssyncset.done $0x0  }
0x231: {  	[sflag:s24] =	ssyncadd.s32 $0xFFFFC000  }
.Ltmp12:
0x232: {  	(pc) =	sbr.rel @p1 .LBB2_21-.Ltmp12, $1  }
0x233: {  	_ =	sdelay $0x3  }
0x234: {  	s9 =	simm.s32 $0x0  }
0x235: {  	s11 =	rddreg [dreg:$0x9];
	v29 =	vmov s9  }
0x236: {  	[tilespmem:s9], [sflag:$0x7] =	stream.linear.gather [hbm4b:s11+s9], $0x1000, $0x38;
	v29 =	vshll.u32 v29, $0x3;
	[tilespmem:$0x18400] =	vst v63  }
0x237: {  	v30 =	vor.u32 s9, v0;
	_ =	swait.ge [sflag:s16], $0x1000;
	v29 =	vand.u32 $0xC00, v29  }
0x238: {  	v30 =	vand.u32 $0x71, v30;
	[sflag:s16] =	ssyncset.done $0x0;
	v29 =	vor.u32 v1, v29  }
0x239: {  	s21 =	rddreg [dreg:$0xa];
	[sflag:s16] =	ssyncadd.s32 $0xFFFFF000;
	v30 =	vor.u32 v30, v29  }
0x23a: {  	[tilespmem:s25], [sflag:$0x7] =	stream.linear.gather [hbm4b:s21+s9], $0x1000, $0x38;
	[tilespmem:$0x18400] =	vst v63  }
0x23b: {  	_ =	swait.ge [sflag:s16], $0x1000  }
0x23c: {  	[sflag:s16] =	ssyncset.done $0x0  }
0x23d: {  	[sflag:s16] =	ssyncadd.s32 $0xFFFFF000  }
0x23e: {  	v32 =	vor.u32 s9, v2;
	v33 =	vor.u32 s9, v4;
	v31 =	vld.idx.msk [tilespmem:v30+s5+$0x0], $0xffff  }
0x23f: {  	v34 =	vor.u32 s9, v3;
	v33 =	vand.u32 $0x73, v33;
	v30 =	vld.idx.msk [tilespmem:v30+s25+$0x0], $0xffff  }
0x240: {  	v33 =	vor.u32 v33, v29;
	_ =	sdelay $0x2  }
0x241: {  	[tilespmem:v32+s2+$0x0] =	vst.idx.msk $0xffff, v31  }
0x242: {  	[tilespmem:v34+s2+$0x0] =	vst.idx.msk $0xffff, v30  }
0x243: {  	v50 =	vor.u32 s9, v7;
	v31 =	vor.u32 s9, v5;
	v30 =	vld.idx.msk [tilespmem:v33+s5+$0x0], $0xffff  }
0x244: {  	v51 =	vor.u32 s9, v6;
	v32 =	vand.u32 $0x75, v50;
	v33 =	vld.idx.msk [tilespmem:v33+s25+$0x0], $0xffff  }
0x245: {  	v32 =	vor.u32 v32, v29;
	_ =	sdelay $0x2  }
0x246: {  	[tilespmem:v31+s2+$0x0] =	vst.idx.msk $0xffff, v30  }
0x247: {  	[tilespmem:v51+s2+$0x0] =	vst.idx.msk $0xffff, v33  }
0x248: {  	v52 =	vor.u32 s9, v11;
	v31 =	vor.u32 s9, v8;
	v30 =	vld.idx.msk [tilespmem:v32+s5+$0x0], $0xffff  }
0x249: {  	v53 =	vor.u32 s9, v9;
	v33 =	vand.u32 $0x77, v52;
	v32 =	vld.idx.msk [tilespmem:v32+s25+$0x0], $0xffff  }
0x24a: {  	v33 =	vor.u32 v33, v29;
	_ =	sdelay $0x2  }
0x24b: {  	[tilespmem:v31+s2+$0x0] =	vst.idx.msk $0xffff, v30  }
0x24c: {  	[tilespmem:v53+s2+$0x0] =	vst.idx.msk $0xffff, v32  }
0x24d: {  	v54 =	vor.u32 s9, v14;
	v31 =	vor.u32 s9, v10;
	v30 =	vld.idx.msk [tilespmem:v33+s5+$0x0], $0xffff  }
0x24e: {  	v55 =	vor.u32 s9, v12;
	v32 =	vand.u32 $0x79, v54;
	v33 =	vld.idx.msk [tilespmem:v33+s25+$0x0], $0xffff  }
0x24f: {  	v32 =	vor.u32 v32, v29;
	_ =	sdelay $0x2  }
0x250: {  	[tilespmem:v31+s2+$0x0] =	vst.idx.msk $0xffff, v30  }
0x251: {  	v30 =	vor.u32 s9, v15;
	[tilespmem:v55+s2+$0x0] =	vst.idx.msk $0xffff, v33  }
0x252: {  	v56 =	vor.u32 s9, v17;
	v30 =	vand.u32 v13, v30;
	v31 =	vld.idx.msk [tilespmem:v32+s5+$0x0], $0xffff  }
0x253: {  	v57 =	vor.u32 s9, v16;
	v33 =	vand.u32 $0x7B, v56;
	v32 =	vld.idx.msk [tilespmem:v32+s25+$0x0], $0xffff  }
0x254: {  	v33 =	vor.u32 v33, v29;
	_ =	sdelay $0x2  }
0x255: {  	[tilespmem:v30+s2+$0x0] =	vst.idx.msk $0xffff, v31  }
0x256: {  	v30 =	vor.u32 s9, v20;
	[tilespmem:v57+s2+$0x0] =	vst.idx.msk $0xffff, v32  }
0x257: {  	v58 =	vor.u32 s9, v23;
	v30 =	vand.u32 v18, v30;
	v31 =	vld.idx.msk [tilespmem:v33+s5+$0x0], $0xffff  }
0x258: {  	v59 =	vor.u32 s9, v21;
	v32 =	vand.u32 $0x7D, v58;
	v33 =	vld.idx.msk [tilespmem:v33+s25+$0x0], $0xffff  }
0x259: {  	v32 =	vor.u32 v32, v29;
	_ =	sdelay $0x2  }
0x25a: {  	[tilespmem:v30+s2+$0x0] =	vst.idx.msk $0xffff, v31  }
0x25b: {  	v30 =	vor.u32 s9, v24;
	[tilespmem:v59+s2+$0x0] =	vst.idx.msk $0xffff, v33  }
0x25c: {  	v60 =	vor.u32 s9, v26;
	v30 =	vand.u32 v19, v30;
	v31 =	vld.idx.msk [tilespmem:v32+s5+$0x0], $0xffff  }
0x25d: {  	v61 =	vor.u32 s9, v25;
	v33 =	vand.u32 $0x7F, v60;
	v32 =	vld.idx.msk [tilespmem:v32+s25+$0x0], $0xffff  }
0x25e: {  	v29 =	vor.u32 v33, v29;
	_ =	sdelay $0x2  }
0x25f: {  	s11 =	simm.s32 $0x10;
	[tilespmem:v30+s2+$0x0] =	vst.idx.msk $0xffff, v31;
	v30 =	vor.u32 s9, v27  }
0x260: {  	[tilespmem:v61+s2+$0x0] =	vst.idx.msk $0xffff, v32;
	v62 =	vand.u32 v22, v30;
	v30 =	vmov s11  }
0x261: {  	v33 =	vld.idx.msk [tilespmem:v29+s5+$0x0], $0xffff;
	v30 =	vshll.u32 v30, $0x3  }
0x262: {  	v31 =	vor.u32 s11, v0;
	v63 =	vand.u32 $0xC00, v30  }
0x263: {  	v31 =	vand.u32 $0x71, v31;
	v32 =	vor.u32 s9, v28;
	v30 =	vld.idx.msk [tilespmem:v29+s25+$0x0], $0xffff;
	v29 =	vor.u32 v1, v63  }
0x264: {  	v31 =	vor.u32 v31, v29;
	_ =	sdelay $0x1  }
0x265: {  	s12 =	simm.s32 $0x20;
	[tilespmem:v62+s2+$0x0] =	vst.idx.msk $0xffff, v33  }
.LBB2_18:
0x266: {  	p2 =	sne.s32 s12, $0x1F0  }
0x267: {  	[tilespmem:v32+s2+$0x0] =	vst.idx.msk $0xffff, v30;
	s9 =	sadd.s32 $0x100, s9;
	s13 =	smov.u32 s12;
	s12 =	sadd.s32 $0x10, s12  }
0x268: {  	v30 =	vld.idx.msk [tilespmem:v31+s5+$0x0], $0xffff  }
0x269: {  	v33 =	vor.u32 s11, v4;
	v32 =	vor.u32 s9, v2;
	v31 =	vld.idx.msk [tilespmem:v31+s25+$0x0], $0xffff  }
0x26a: {  	v34 =	vor.u32 s9, v3;
	v33 =	vand.u32 $0x73, v33  }
0x26b: {  	v33 =	vor.u32 v33, v29;
	_ =	sdelay $0x2  }
0x26c: {  	[tilespmem:v32+s2+$0x0] =	vst.idx.msk $0xffff, v30  }
0x26d: {  	[tilespmem:v34+s2+$0x0] =	vst.idx.msk $0xffff, v31  }
0x26e: {  	v30 =	vld.idx.msk [tilespmem:v33+s5+$0x0], $0xffff  }
0x26f: {  	v32 =	vor.u32 s9, v5;
	v31 =	vld.idx.msk [tilespmem:v33+s25+$0x0], $0xffff;
	v33 =	vor.u32 s11, v7  }
0x270: {  	v34 =	vor.u32 s9, v6;
	v33 =	vand.u32 $0x75, v33  }
0x271: {  	v33 =	vor.u32 v33, v29;
	_ =	sdelay $0x2  }
0x272: {  	[tilespmem:v32+s2+$0x0] =	vst.idx.msk $0xffff, v30  }
0x273: {  	[tilespmem:v34+s2+$0x0] =	vst.idx.msk $0xffff, v31  }
0x274: {  	v30 =	vld.idx.msk [tilespmem:v33+s5+$0x0], $0xffff  }
0x275: {  	v32 =	vor.u32 s9, v8;
	v31 =	vld.idx.msk [tilespmem:v33+s25+$0x0], $0xffff;
	v33 =	vor.u32 s11, v11  }
0x276: {  	v34 =	vor.u32 s9, v9;
	v33 =	vand.u32 $0x77, v33  }
0x277: {  	v33 =	vor.u32 v33, v29;
	_ =	sdelay $0x2  }
0x278: {  	[tilespmem:v32+s2+$0x0] =	vst.idx.msk $0xffff, v30  }
0x279: {  	[tilespmem:v34+s2+$0x0] =	vst.idx.msk $0xffff, v31  }
0x27a: {  	v30 =	vld.idx.msk [tilespmem:v33+s5+$0x0], $0xffff  }
0x27b: {  	v32 =	vor.u32 s9, v10;
	v31 =	vld.idx.msk [tilespmem:v33+s25+$0x0], $0xffff;
	v33 =	vor.u32 s11, v14  }
0x27c: {  	v34 =	vor.u32 s9, v12;
	v33 =	vand.u32 $0x79, v33  }
0x27d: {  	v33 =	vor.u32 v33, v29;
	_ =	sdelay $0x2  }
0x27e: {  	[tilespmem:v32+s2+$0x0] =	vst.idx.msk $0xffff, v30  }
0x27f: {  	[tilespmem:v34+s2+$0x0] =	vst.idx.msk $0xffff, v31  }
0x280: {  	v31 =	vor.u32 s9, v15;
	v30 =	vld.idx.msk [tilespmem:v33+s5+$0x0], $0xffff  }
0x281: {  	v31 =	vand.u32 v13, v31;
	v32 =	vld.idx.msk [tilespmem:v33+s25+$0x0], $0xffff;
	v33 =	vor.u32 s11, v17  }
0x282: {  	v34 =	vor.u32 s9, v16;
	v33 =	vand.u32 $0x7B, v33  }
0x283: {  	v33 =	vor.u32 v33, v29;
	_ =	sdelay $0x2  }
0x284: {  	[tilespmem:v31+s2+$0x0] =	vst.idx.msk $0xffff, v30  }
0x285: {  	[tilespmem:v34+s2+$0x0] =	vst.idx.msk $0xffff, v32  }
0x286: {  	v31 =	vor.u32 s9, v20;
	v30 =	vld.idx.msk [tilespmem:v33+s5+$0x0], $0xffff  }
0x287: {  	v31 =	vand.u32 v18, v31;
	v32 =	vld.idx.msk [tilespmem:v33+s25+$0x0], $0xffff;
	v33 =	vor.u32 s11, v23  }
0x288: {  	v34 =	vor.u32 s9, v21;
	v33 =	vand.u32 $0x7D, v33  }
0x289: {  	v33 =	vor.u32 v33, v29;
	_ =	sdelay $0x2  }
0x28a: {  	[tilespmem:v31+s2+$0x0] =	vst.idx.msk $0xffff, v30  }
0x28b: {  	[tilespmem:v34+s2+$0x0] =	vst.idx.msk $0xffff, v32  }
0x28c: {  	v31 =	vor.u32 s9, v24;
	v30 =	vld.idx.msk [tilespmem:v33+s5+$0x0], $0xffff  }
0x28d: {  	v31 =	vand.u32 v19, v31;
	v32 =	vld.idx.msk [tilespmem:v33+s25+$0x0], $0xffff;
	v33 =	vor.u32 s11, v26;
	s11 =	smov.u32 s13  }
0x28e: {  	v34 =	vor.u32 s9, v25;
	v33 =	vand.u32 $0x7F, v33  }
0x28f: {  	v29 =	vor.u32 v33, v29;
	_ =	sdelay $0x2  }
0x290: {  	[tilespmem:v31+s2+$0x0] =	vst.idx.msk $0xffff, v30  }
0x291: {  	v30 =	vmov s11;
	[tilespmem:v34+s2+$0x0] =	vst.idx.msk $0xffff, v32  }
0x292: {  	v31 =	vor.u32 s9, v27;
	v30 =	vshll.u32 v30, $0x3;
	v33 =	vld.idx.msk [tilespmem:v29+s5+$0x0], $0xffff  }
0x293: {  	v32 =	vor.u32 s11, v0;
	v35 =	vand.u32 v22, v31;
	v34 =	vand.u32 $0xC00, v30;
	v30 =	vld.idx.msk [tilespmem:v29+s25+$0x0], $0xffff  }
.Ltmp13:
0x294: {  	v31 =	vand.u32 $0x71, v32;
	v32 =	vor.u32 s9, v28;
	v29 =	vor.u32 v1, v34;
	(pc) =	sbr.rel @p2 .LBB2_18-.Ltmp13, $2  }
0x295: {  	v31 =	vor.u32 v31, v29;
	_ =	sdelay $0x2  }
0x296: {  	[tilespmem:v35+s2+$0x0] =	vst.idx.msk $0xffff, v33  }
0x297: {  	_ =	sdelay $0x3  }
0x298: {  	[tilespmem:v32+s2+$0x0] =	vst.idx.msk $0xffff, v30;
	s9 =	sadd.s32 $0x100, s9  }
0x299: {  	v33 =	vor.u32 s11, v4;
	v30 =	vld.idx.msk [tilespmem:v31+s5+$0x0], $0xffff;
	v50 =	vor.u32 s9, v2  }
0x29a: {  	v31 =	vld.idx.msk [tilespmem:v31+s25+$0x0], $0xffff;
	v34 =	vor.u32 s9, v3;
	v33 =	vand.u32 $0x73, v33  }
0x29b: {  	v33 =	vor.u32 v33, v29;
	_ =	sdelay $0x2  }
0x29c: {  	[tilespmem:v50+s2+$0x0] =	vst.idx.msk $0xffff, v30  }
0x29d: {  	[tilespmem:v34+s2+$0x0] =	vst.idx.msk $0xffff, v31  }
0x29e: {  	v51 =	vor.u32 s11, v7;
	v31 =	vor.u32 s9, v5;
	v30 =	vld.idx.msk [tilespmem:v33+s5+$0x0], $0xffff  }
0x29f: {  	v52 =	vor.u32 s9, v6;
	v32 =	vand.u32 $0x75, v51;
	v33 =	vld.idx.msk [tilespmem:v33+s25+$0x0], $0xffff  }
0x2a0: {  	v32 =	vor.u32 v32, v29;
	_ =	sdelay $0x2  }
0x2a1: {  	[tilespmem:v31+s2+$0x0] =	vst.idx.msk $0xffff, v30  }
0x2a2: {  	[tilespmem:v52+s2+$0x0] =	vst.idx.msk $0xffff, v33  }
0x2a3: {  	v53 =	vor.u32 s11, v11;
	v31 =	vor.u32 s9, v8;
	v30 =	vld.idx.msk [tilespmem:v32+s5+$0x0], $0xffff  }
0x2a4: {  	v54 =	vor.u32 s9, v9;
	v33 =	vand.u32 $0x77, v53;
	v32 =	vld.idx.msk [tilespmem:v32+s25+$0x0], $0xffff  }
0x2a5: {  	v33 =	vor.u32 v33, v29;
	_ =	sdelay $0x2  }
0x2a6: {  	[tilespmem:v31+s2+$0x0] =	vst.idx.msk $0xffff, v30  }
0x2a7: {  	[tilespmem:v54+s2+$0x0] =	vst.idx.msk $0xffff, v32  }
0x2a8: {  	v55 =	vor.u32 s11, v14;
	v31 =	vor.u32 s9, v10;
	v30 =	vld.idx.msk [tilespmem:v33+s5+$0x0], $0xffff  }
0x2a9: {  	v56 =	vor.u32 s9, v12;
	v32 =	vand.u32 $0x79, v55;
	v33 =	vld.idx.msk [tilespmem:v33+s25+$0x0], $0xffff  }
0x2aa: {  	v32 =	vor.u32 v32, v29;
	_ =	sdelay $0x2  }
0x2ab: {  	[tilespmem:v31+s2+$0x0] =	vst.idx.msk $0xffff, v30  }
0x2ac: {  	v30 =	vor.u32 s9, v15;
	[tilespmem:v56+s2+$0x0] =	vst.idx.msk $0xffff, v33  }
0x2ad: {  	v57 =	vor.u32 s11, v17;
	v30 =	vand.u32 v13, v30;
	v31 =	vld.idx.msk [tilespmem:v32+s5+$0x0], $0xffff  }
0x2ae: {  	v58 =	vor.u32 s9, v16;
	v33 =	vand.u32 $0x7B, v57;
	v32 =	vld.idx.msk [tilespmem:v32+s25+$0x0], $0xffff  }
0x2af: {  	v33 =	vor.u32 v33, v29;
	_ =	sdelay $0x2  }
0x2b0: {  	[tilespmem:v30+s2+$0x0] =	vst.idx.msk $0xffff, v31  }
0x2b1: {  	v30 =	vor.u32 s9, v20;
	[tilespmem:v58+s2+$0x0] =	vst.idx.msk $0xffff, v32  }
0x2b2: {  	v59 =	vor.u32 s11, v23;
	v30 =	vand.u32 v18, v30;
	v31 =	vld.idx.msk [tilespmem:v33+s5+$0x0], $0xffff  }
0x2b3: {  	v60 =	vor.u32 s9, v21;
	v32 =	vand.u32 $0x7D, v59;
	v33 =	vld.idx.msk [tilespmem:v33+s25+$0x0], $0xffff  }
0x2b4: {  	v32 =	vor.u32 v32, v29;
	_ =	sdelay $0x2  }
0x2b5: {  	[tilespmem:v30+s2+$0x0] =	vst.idx.msk $0xffff, v31  }
0x2b6: {  	v30 =	vor.u32 s9, v24;
	[tilespmem:v60+s2+$0x0] =	vst.idx.msk $0xffff, v33  }
0x2b7: {  	v61 =	vor.u32 s11, v26;
	v30 =	vand.u32 v19, v30;
	v31 =	vld.idx.msk [tilespmem:v32+s5+$0x0], $0xffff  }
0x2b8: {  	v62 =	vor.u32 s9, v25;
	v33 =	vand.u32 $0x7F, v61;
	v32 =	vld.idx.msk [tilespmem:v32+s25+$0x0], $0xffff  }
0x2b9: {  	v29 =	vor.u32 v33, v29;
	_ =	sdelay $0x2  }
0x2ba: {  	[tilespmem:v30+s2+$0x0] =	vst.idx.msk $0xffff, v31  }
0x2bb: {  	v30 =	vor.u32 s9, v27;
	[tilespmem:v62+s2+$0x0] =	vst.idx.msk $0xffff, v32  }
0x2bc: {  	v30 =	vand.u32 v22, v30;
	v31 =	vld.idx.msk [tilespmem:v29+s5+$0x0], $0xffff  }
0x2bd: {  	v63 =	vor.u32 s9, v28;
	v29 =	vld.idx.msk [tilespmem:v29+s25+$0x0], $0xffff;
	_ =	sdelay $0x3  }
0x2be: {  	[tilespmem:v30+s2+$0x0] =	vst.idx.msk $0xffff, v31  }
.Ltmp14:
0x2bf: {  	s21 =	rddreg [dreg:$0xd];
	[tilespmem:v63+s2+$0x0] =	vst.idx.msk $0xffff, v29;
	(pc) =	sbr.rel .LBB2_21-.Ltmp14, $4  }
0x2c0: {  	[hbm4b:s21+s5] =	stream.linear.scatter [tilespmem:s2], [sflag:$0x7], $0x2000, $0x38;
	[tilespmem:$0x18400] =	vst v63  }
0x2c1: {  	_ =	swait.ge [sflag:s16], $0x2000  }
0x2c2: {  	[sflag:s16] =	ssyncset.done $0x0  }
0x2c3: {  	[sflag:s16] =	ssyncadd.s32 $0xFFFFE000  }
.LBB2_22:
0x2c4: {  	_ =	sfence.sel $0x180000  }
0x2c5: {  	[bflag:$0x0] =	sbarrier.arrive $0xFFFF  }
0x2c6: {  	_ =	strace $0x90000047  }
0x2c7: {  	s0 =	stileid.u32;
	[bflag:$0x2] =	sbarrier.arrive $0xFFFF  }
0x2c8: {  	p0 =	sne.s32 s0, $0x0;
	s0 =	rddreg [dreg:$0x3]  }
0x2c9: {  	s0 =	sadd.s32 @!p0 $0x100000, s0  }
0x2ca: {  	[sflag:s0] =	ssyncadd.tile.s32 @!p0 $0x1;
	_ =	shalt  }
.Lfunc_end2:
_tile_overlayer_lowered:
.L_overlay_start_2:
0x2cb: {  	(tag) =	ssettag $0x2  }
0x2cc: {  	s0 =	rddreg [dreg:$0x0];
	s2 =	stileid.u32  }
0x2cd: {  	s1 =	rddreg [dreg:$0x1];
	p0 =	sne.s32 s2, $0x0  }
0x2ce: {  	s3 =	rddreg [dreg:$0x2];
	[bflag:$0x3] =	sbarrier.arrive $0xFFFF;
	s2 =	simm.s32 @!p0 $0x1C07  }
0x2cf: {  	[timem:s3], [sflag:s2] =	dma.local @!p0 [hbm:s0], s1  }
0x2d0: {  	s0 =	simm.s32 @!p0 $0x7  }
0x2d1: {  	_ =	swait.ge @!p0 [sflag:s0], s1  }
0x2d2: {  	s1 =	ssub.s32 @!p0 $0x0, s1;
	[sflag:s0] =	ssyncset.done @!p0 $0x0  }
0x2d3: {  	[sflag:s0] =	ssyncadd.s32 @!p0 s1  }
0x2d4: {  	[bflag:$0x3] =	sbarrier.arrive $0xFFFF  }
0x2d5: {  	_ =	shalt  }

</sc_bundles>
